<compile_context>
chip_gen: v7x
topology: tpu7x:2x2x1
jax: 0.10.2.dev20260603
libtpu: 0.0.44.dev20260713+nightly
codegen_flags: <defaults>
</compile_context>

<pallas_src>
import functools

import jax
import jax.numpy as jnp
from jax import lax
from jax.experimental import pallas as pl
from jax.experimental.pallas import tpu as pltpu
from jax.experimental.pallas import tpu_sc as plsc

KP1 = 21
EPS = 1e-06
BN_EPS = 1e-05
RB = 512


def _knn_body(xft_ref, xf_ref, idx_ref, cnt_ref):
    b = pl.program_id(0)
    rb = pl.program_id(1)
    xft = xft_ref[0]
    xf = xf_ref[0]
    n = xf.shape[1]
    xx_row = jnp.sum(xf * xf, axis=0, keepdims=True)
    xx_blk = jnp.sum(xft * xft, axis=1, keepdims=True)
    prod = lax.dot_general(
        xft, xf, (((1,), (0,)), ((), ())),
                           preferred_element_type=jnp.float32)
    dist = 2.0 * prod - xx_blk - xx_row
    flane = lax.broadcasted_iota(jnp.int32, (RB, n), 1).astype(jnp.float32)
    neg = jnp.float32(-jnp.inf)
    for k in range(KP1):
        m = jnp.max(dist, axis=1, keepdims=True)
        amaxf = jnp.min(jnp.where(dist == m, flane, jnp.float32(n)), axis=1)
        idx_ref[0, k, :] = amaxf.astype(jnp.int32) + b * n
        dist = jnp.where(flane == amaxf[:, None], neg, dist)
    sel = (dist == neg).astype(jnp.float32)
    ones = jnp.ones((1, RB), jnp.float32)
    csum = lax.dot_general(ones, sel, (((1,), (0,)), ((), ())),
                           preferred_element_type=jnp.float32)

    @pl.when(rb == 0)
    def _():
        cnt_ref[0] = jnp.zeros_like(cnt_ref[0])

    cnt_ref[0] += csum


def _point_body(xfl_ref, wf_ref, wd_ref, bnw_ref, bnb_ref, cnt_ref, g_ref):
    b_sz = xfl_ref.shape[0]
    n = cnt_ref.shape[2]
    wf = wf_ref[...]
    wd = wd_ref[...]
    ps, ds, nrms = [], [], []
    s1 = jnp.zeros((wf.shape[0], 1), jnp.float32)
    s2 = jnp.zeros((wf.shape[0], 1), jnp.float32)
    for b in range(b_sz):
        xb = xfl_ref[b]
        p = lax.dot_general(wf, xb, (((1,), (0,)), ((), ())),
                            preferred_element_type=jnp.float32)
        d = lax.dot_general(wd, xb, (((1,), (0,)), ((), ())),
                            preferred_element_type=jnp.float32)
        nsq = (p[:, 0:n] * p[:, 0:n] + p[:, n:2 * n] * p[:, n:2 * n]
               + p[:, 2 * n:] * p[:, 2 * n:])
        nrm = jnp.sqrt(nsq)
        cb = cnt_ref[b]
        s1 = s1 + jnp.sum(nrm * cb, axis=1, keepdims=True)
        s2 = s2 + jnp.sum(nsq * cb, axis=1, keepdims=True)
        ps.append(p)
        ds.append(d)
        nrms.append(nrm)
    denom = jnp.float32(1.0 / (b_sz * n * KP1))
    mean = s1 * denom
    var = s2 * denom - mean * mean
    rstd = lax.rsqrt(var + BN_EPS)
    bnw = bnw_ref[...]
    bnb = bnb_ref[...]
    for b in range(b_sz):
        p, d, nrm = ps[b], ds[b], nrms[b]
        norm_bn = (nrm - mean) * rstd * bnw + bnb
        sc = norm_bn / nrm
        gts = []
        dot = jnp.zeros((wf.shape[0], n), jnp.float32)
        dsq = jnp.zeros((wf.shape[0], n), jnp.float32)
        phs, dts = [], []
        for t in range(3):
            pt = p[:, t * n:(t + 1) * n] * sc
            dt = d[:, t * n:(t + 1) * n]
            dot = dot + pt * dt
            dsq = dsq + dt * dt
            phs.append(pt)
            dts.append(dt)
        coef = jnp.where(dot >= 0, 0.0, dot / (dsq + EPS))
        inv = jnp.float32(1.0 / KP1)
        for t in range(3):
            gts.append((phs[t] - coef * dts[t]) * inv)
        gmat = jnp.concatenate(gts, axis=0)
        pad = jnp.zeros((n, g_ref.shape[2] - gmat.shape[0]), jnp.float32)
        g_ref[b] = jnp.concatenate([gmat.T, pad], axis=-1)


SUB = 128


def _make_gather(total_rows, d, workers):
    ch = total_rows // workers
    nsub = ch // SUB
    mesh = plsc.VectorSubcoreMesh(core_axis_name="c", subcore_axis_name="s")

    @functools.partial(
        pl.kernel, mesh=mesh,
        out_type=jax.ShapeDtypeStruct((total_rows, d), jnp.float32),
        scratch_types=[
            pltpu.VMEM((KP1 * nsub * SUB,), jnp.int32),
            pltpu.VMEM((ch, d), jnp.float32),
            pltpu.SemaphoreType.DMA,
        ],
    )
    def gather_k(g_hbm, idxr_hbm, out_hbm, idx_v, acc_v, sem):
        nc = lax.axis_size("c")
        wid = lax.axis_index("s") * nc + lax.axis_index("c")
        pltpu.sync_copy(idxr_hbm.at[wid], idx_v)
        for s in range(nsub):
            pltpu.sync_copy(g_hbm.at[idx_v.at[pl.ds(s * SUB, SUB)]],
                            acc_v.at[pl.ds(s * SUB, SUB)])

        def start(k):
            for s in range(nsub):
                pltpu.make_async_copy(
                    g_hbm.at[idx_v.at[pl.ds((k * nsub + s) * SUB, SUB)]],
                    acc_v.at[pl.ds(s * SUB, SUB)], sem).start(add=True)

        def drain():
            for s in range(nsub):
                pltpu.make_async_copy(
                    g_hbm.at[idx_v.at[pl.ds(s * SUB, SUB)]],
                    acc_v.at[pl.ds(s * SUB, SUB)], sem).wait()

        def body(k, carry):
            start(k)
            drain()
            return carry

        start(1)
        lax.fori_loop(2, KP1, body, 0)
        drain()
        pltpu.sync_copy(acc_v, out_hbm.at[pl.ds(wid * ch, ch)])

    return gather_k


def kernel(x, W_feat, W_dir, bn_w, bn_b):
    B, C, _, N = x.shape
    Cout = W_feat.shape[0]
    F = C * 3
    xf = x.reshape(B, F, N)
    xft = jnp.swapaxes(xf, 1, 2)

    idx, cnt = pl.pallas_call(
        _knn_body,
        grid=(B, N // RB),
        in_specs=[
            pl.BlockSpec((1, RB, F), lambda b, r: (b, r, 0)),
            pl.BlockSpec((1, F, N), lambda b, r: (b, 0, 0)),
        ],
        out_specs=[
            pl.BlockSpec((1, KP1, RB), lambda b, r: (b, 0, r)),
            pl.BlockSpec((1, 1, N), lambda b, r: (b, 0, 0)),
        ],
        out_shape=[
            jax.ShapeDtypeStruct((B, KP1, N), jnp.int32),
            jax.ShapeDtypeStruct((B, 1, N), jnp.float32),
        ],
    )(xft, xf)

    g = pl.pallas_call(
        _point_body,
        out_shape=jax.ShapeDtypeStruct((B, N, SUB), jnp.float32),
    )(x.reshape(B, C, 3 * N), W_feat, W_dir,
      bn_w.reshape(Cout, 1), bn_b.reshape(Cout, 1), cnt)

    workers = 32
    ch = B * N // workers
    nsub = ch // SUB
    cpb = N // ch
    idxr = (idx.reshape(B, KP1, cpb, nsub, SUB)
            .transpose(0, 2, 1, 3, 4)
            .reshape(workers, KP1 * nsub * SUB))
    gather_k = _make_gather(B * N, SUB, workers)
    out_flat = gather_k(g.reshape(B * N, SUB), idxr)
    return (out_flat[:, :3 * Cout]
            .reshape(B, N, 3, Cout).transpose(0, 3, 2, 1))

# --- scband reference (transcript-rebuilt; emitter-appended) ---
"""Pipeline reference for scband-vnlayer-11630771438303 (READ-ONLY COPY).

The authoritative reference and input builder live on the scoring server;
editing this copy changes nothing except your own understanding.
"""

import jax, jax.numpy as jnp
import numpy as np

K = 20
EPS = 1e-06
BN_EPS = 1e-05


def setup_inputs(seed: int = 0) -> dict:
    key = jax.random.key(seed)
    k1, k2, k3 = jax.random.split(key, 3)
    B, C, N = 8, 16, 2048
    Cout = 16
    x = jax.random.normal(k1, (B, C, 3, N), dtype=jnp.float32)
    W_feat = jax.random.normal(k2, (Cout, C), dtype=jnp.float32) * (1.0 / np.sqrt(C))
    W_dir = jax.random.normal(k3, (Cout, C), dtype=jnp.float32) * (1.0 / np.sqrt(C))
    bn_w = jnp.ones((Cout,), dtype=jnp.float32)
    bn_b = jnp.zeros((Cout,), dtype=jnp.float32)
    return {"x": x, "W_feat": W_feat, "W_dir": W_dir, "bn_w": bn_w, "bn_b": bn_b}


def _forward(x, W_feat, W_dir, bn_w, bn_b):
    B = x.shape[0]
    N = x.shape[3]
    xf = x.reshape(B, -1, N)
    # knn over flattened (C*3)-dim point features
    inner = -2.0 * jnp.matmul(jnp.swapaxes(xf, 2, 1), xf)
    xx = jnp.sum(xf * xf, axis=1, keepdims=True)
    pairwise_distance = -xx - inner - jnp.swapaxes(xx, 2, 1)
    idx = jax.lax.top_k(pairwise_distance, K + 1)[1]  # [B, N, K+1]
    idx = idx + jnp.arange(B).reshape(-1, 1, 1) * N
    idx = idx.reshape(-1)
    num_dims = xf.shape[1] // 3
    xt = jnp.swapaxes(xf, 2, 1).reshape(B * N, -1)
    feature = xt[idx, :].reshape(B, N, K + 1, num_dims, 3)
    feature = jnp.transpose(feature, (0, 3, 4, 1, 2))  # [B, C, 3, N, K+1]
    # VNLinearLeakyReLU (dim=5, use_batchnorm=True, share_nonlinearity=False)
    p = jnp.swapaxes(jnp.matmul(jnp.swapaxes(feature, 1, -1), W_feat.T), 1, -1)
    # VNBatchNorm: BatchNorm2d on vector norms (training-mode batch stats)
    norm = jnp.sqrt(jnp.sum(p * p, axis=2))  # [B, Cout, N, K+1]
    mean = jnp.mean(norm, axis=(0, 2, 3), keepdims=True)
    var = jnp.var(norm, axis=(0, 2, 3), keepdims=True)
    norm_bn = (norm - mean) / jnp.sqrt(var + BN_EPS) * bn_w.reshape(1, -1, 1, 1) + bn_b.reshape(1, -1, 1, 1)
    p = p / norm[:, :, None] * norm_bn[:, :, None]
    d = jnp.swapaxes(jnp.matmul(jnp.swapaxes(feature, 1, -1), W_dir.T), 1, -1)
    dotprod = jnp.sum(p * d, axis=2, keepdims=True)
    mask = (dotprod >= 0).astype(p.dtype)
    d_norm_sq = jnp.sum(d * d, axis=2, keepdims=True)
    x_out = mask * p + (1 - mask) * (p - dotprod / (d_norm_sq + EPS) * d)
    return jnp.mean(x_out, axis=-1)  # [B, Cout, 3, N]


def reference(x, W_feat, W_dir, bn_w, bn_b):
    return _forward(x, W_feat, W_dir, bn_w, bn_b)

if __name__ == "__main__":
    import jax
    _d = setup_inputs()
    print(jax.jit(kernel)(*tuple(_d.values())))

</pallas_src>

<mosaic_0001>
#map = affine_map<(d0, d1) -> (0, 0)>
module attributes {stable_mosaic.version = 14 : i64} {
  func.func @gather_k(%arg0: i32, %arg1: i32, %arg2: memref<16384x128xf32, #tpu.memory_space<hbm>>, %arg3: memref<32x10752xi32, #tpu.memory_space<hbm>>, %arg4: memref<16384x128xf32, #tpu.memory_space<hbm>>, %arg5: memref<10752xi32, #tpu.memory_space<vmem>>, %arg6: memref<512x128xf32, #tpu.memory_space<vmem>>, %arg7: memref<!tpu.dma_semaphore, #tpu.memory_space<semaphore_mem>>) attributes {dimension_semantics = [#tpu.dimension_semantics<core_parallel>, #tpu.dimension_semantics<subcore_parallel>], iteration_bounds = array<i64: 2, 16>, scalar_prefetch = 0 : i64, scratch_operands = 3 : i64, tpu.core_type = #tpu.core_type<sc_vector_subcore>, window_params = [{transform_indices = #map}, {transform_indices = #map}, {transform_indices = #map}]} {
    %mul3A = arith.constant 2 : i32
    %mul3A_0 = arith.muli %arg1, %mul3A : i32
    %add3A = arith.addi %mul3A_0, %arg0 : i32
    "tpu.region"() ({
      %run_scoped3A = tpu.sem_alloc : memref<!tpu.dma_semaphore, #tpu.memory_space<semaphore_mem>>
      %dma_start3A_70 = arith.constant 0 : i32
      %dma_start3A_71 = tpu.memref_slice %arg3[%add3A, %dma_start3A_70] : memref<32x10752xi32, #tpu.memory_space<hbm>> -> memref<1x10752xi32, #tpu.memory_space<hbm>>
      %dma_start3A_72 = tpu.memref_squeeze %dma_start3A_71 : memref<1x10752xi32, #tpu.memory_space<hbm>> -> memref<10752xi32, #tpu.memory_space<hbm>>
      %dma_start3A_73 = arith.constant 0 : i32
      %dma_start3A_74 = tpu.memref_slice %arg3[%add3A, %dma_start3A_73] : memref<32x10752xi32, #tpu.memory_space<hbm>> -> memref<1x10752xi32, #tpu.memory_space<hbm>>
      %dma_start3A_75 = tpu.memref_squeeze %dma_start3A_74 : memref<1x10752xi32, #tpu.memory_space<hbm>> -> memref<10752xi32, #tpu.memory_space<hbm>>
      tpu.enqueue_dma source(%dma_start3A_75 : memref<10752xi32, #tpu.memory_space<hbm>>) target(%arg5 : memref<10752xi32, #tpu.memory_space<vmem>>) target_semaphore(%run_scoped3A : memref<!tpu.dma_semaphore, #tpu.memory_space<semaphore_mem>>)
      %dma_wait3A_76 = arith.constant 0 : i32
      %dma_wait3A_77 = tpu.memref_slice %arg3[%add3A, %dma_wait3A_76] : memref<32x10752xi32, #tpu.memory_space<hbm>> -> memref<1x10752xi32, #tpu.memory_space<hbm>>
      %dma_wait3A_78 = tpu.memref_squeeze %dma_wait3A_77 : memref<1x10752xi32, #tpu.memory_space<hbm>> -> memref<10752xi32, #tpu.memory_space<hbm>>
      %dma_wait3A_79 = arith.constant 0 : i32
      %dma_wait3A_80 = tpu.memref_slice %arg3[%add3A, %dma_wait3A_79] : memref<32x10752xi32, #tpu.memory_space<hbm>> -> memref<1x10752xi32, #tpu.memory_space<hbm>>
      %dma_wait3A_81 = tpu.memref_squeeze %dma_wait3A_80 : memref<1x10752xi32, #tpu.memory_space<hbm>> -> memref<10752xi32, #tpu.memory_space<hbm>>
      tpu.wait_dma2 semaphore(%run_scoped3A : memref<!tpu.dma_semaphore, #tpu.memory_space<semaphore_mem>>) src(%dma_wait3A_81 : memref<10752xi32, #tpu.memory_space<hbm>>) dst(%arg5 : memref<10752xi32, #tpu.memory_space<vmem>>)
      tpu.yield
    }) : () -> ()
    "tpu.region"() ({
      %run_scoped3A = tpu.sem_alloc : memref<!tpu.dma_semaphore, #tpu.memory_space<semaphore_mem>>
      %dma_start3A_70 = arith.constant 0 : i32
      %dma_start3A_71 = arith.constant 0 : i32
      %dma_start3A_72 = tpu.memref_slice %arg6[%dma_start3A_70, %dma_start3A_71] : memref<512x128xf32, #tpu.memory_space<vmem>> -> memref<128x128xf32, #tpu.memory_space<vmem>>
      %dma_start3A_73 = arith.constant 0 : i32
      %dma_start3A_74 = tpu.memref_slice %arg5[%dma_start3A_73] : memref<10752xi32, #tpu.memory_space<vmem>> -> memref<128xi32, #tpu.memory_space<vmem>>
      %dma_start3A_75 = arith.constant 0 : i32
      %dma_start3A_76 = arith.constant 0 : i32
      %dma_start3A_77 = tpu.memref_slice %arg2[%dma_start3A_75, %dma_start3A_76] : memref<16384x128xf32, #tpu.memory_space<hbm>> -> memref<16384x128xf32, #tpu.memory_space<hbm>>
      tpu.enqueue_indirect_dma source(%dma_start3A_77 : memref<16384x128xf32, #tpu.memory_space<hbm>>) target(%dma_start3A_72 : memref<128x128xf32, #tpu.memory_space<vmem>>) offsets(%dma_start3A_74 : memref<128xi32, #tpu.memory_space<vmem>>) semaphore(%run_scoped3A : memref<!tpu.dma_semaphore, #tpu.memory_space<semaphore_mem>>)
      %dma_wait3A_78 = arith.constant 0 : i32
      %dma_wait3A_79 = arith.constant 0 : i32
      %dma_wait3A_80 = tpu.memref_slice %arg6[%dma_wait3A_78, %dma_wait3A_79] : memref<512x128xf32, #tpu.memory_space<vmem>> -> memref<128x128xf32, #tpu.memory_space<vmem>>
      %dma_wait3A_81 = arith.constant 0 : i32
      %dma_wait3A_82 = tpu.memref_slice %arg5[%dma_wait3A_81] : memref<10752xi32, #tpu.memory_space<vmem>> -> memref<128xi32, #tpu.memory_space<vmem>>
      %dma_wait3A_83 = arith.constant 0 : i32
      %dma_wait3A_84 = arith.constant 0 : i32
      %dma_wait3A_85 = tpu.memref_slice %arg2[%dma_wait3A_83, %dma_wait3A_84] : memref<16384x128xf32, #tpu.memory_space<hbm>> -> memref<16384x128xf32, #tpu.memory_space<hbm>>
      tpu.wait_indirect_dma semaphore(%run_scoped3A : memref<!tpu.dma_semaphore, #tpu.memory_space<semaphore_mem>>) src(%dma_wait3A_85 : memref<16384x128xf32, #tpu.memory_space<hbm>>) dst(%dma_wait3A_80 : memref<128x128xf32, #tpu.memory_space<vmem>>)
      tpu.yield
    }) : () -> ()
    "tpu.region"() ({
      %run_scoped3A = tpu.sem_alloc : memref<!tpu.dma_semaphore, #tpu.memory_space<semaphore_mem>>
      %dma_start3A_70 = arith.constant 128 : i32
      %dma_start3A_71 = arith.constant 0 : i32
      %dma_start3A_72 = tpu.memref_slice %arg6[%dma_start3A_70, %dma_start3A_71] : memref<512x128xf32, #tpu.memory_space<vmem>> -> memref<128x128xf32, #tpu.memory_space<vmem>>
      %dma_start3A_73 = arith.constant 128 : i32
      %dma_start3A_74 = tpu.memref_slice %arg5[%dma_start3A_73] : memref<10752xi32, #tpu.memory_space<vmem>> -> memref<128xi32, #tpu.memory_space<vmem>>
      %dma_start3A_75 = arith.constant 0 : i32
      %dma_start3A_76 = arith.constant 0 : i32
      %dma_start3A_77 = tpu.memref_slice %arg2[%dma_start3A_75, %dma_start3A_76] : memref<16384x128xf32, #tpu.memory_space<hbm>> -> memref<16384x128xf32, #tpu.memory_space<hbm>>
      tpu.enqueue_indirect_dma source(%dma_start3A_77 : memref<16384x128xf32, #tpu.memory_space<hbm>>) target(%dma_start3A_72 : memref<128x128xf32, #tpu.memory_space<vmem>>) offsets(%dma_start3A_74 : memref<128xi32, #tpu.memory_space<vmem>>) semaphore(%run_scoped3A : memref<!tpu.dma_semaphore, #tpu.memory_space<semaphore_mem>>)
      %dma_wait3A_78 = arith.constant 128 : i32
      %dma_wait3A_79 = arith.constant 0 : i32
      %dma_wait3A_80 = tpu.memref_slice %arg6[%dma_wait3A_78, %dma_wait3A_79] : memref<512x128xf32, #tpu.memory_space<vmem>> -> memref<128x128xf32, #tpu.memory_space<vmem>>
      %dma_wait3A_81 = arith.constant 128 : i32
      %dma_wait3A_82 = tpu.memref_slice %arg5[%dma_wait3A_81] : memref<10752xi32, #tpu.memory_space<vmem>> -> memref<128xi32, #tpu.memory_space<vmem>>
      %dma_wait3A_83 = arith.constant 0 : i32
      %dma_wait3A_84 = arith.constant 0 : i32
      %dma_wait3A_85 = tpu.memref_slice %arg2[%dma_wait3A_83, %dma_wait3A_84] : memref<16384x128xf32, #tpu.memory_space<hbm>> -> memref<16384x128xf32, #tpu.memory_space<hbm>>
      tpu.wait_indirect_dma semaphore(%run_scoped3A : memref<!tpu.dma_semaphore, #tpu.memory_space<semaphore_mem>>) src(%dma_wait3A_85 : memref<16384x128xf32, #tpu.memory_space<hbm>>) dst(%dma_wait3A_80 : memref<128x128xf32, #tpu.memory_space<vmem>>)
      tpu.yield
    }) : () -> ()
    "tpu.region"() ({
      %run_scoped3A = tpu.sem_alloc : memref<!tpu.dma_semaphore, #tpu.memory_space<semaphore_mem>>
      %dma_start3A_70 = arith.constant 256 : i32
      %dma_start3A_71 = arith.constant 0 : i32
      %dma_start3A_72 = tpu.memref_slice %arg6[%dma_start3A_70, %dma_start3A_71] : memref<512x128xf32, #tpu.memory_space<vmem>> -> memref<128x128xf32, #tpu.memory_space<vmem>>
      %dma_start3A_73 = arith.constant 256 : i32
      %dma_start3A_74 = tpu.memref_slice %arg5[%dma_start3A_73] : memref<10752xi32, #tpu.memory_space<vmem>> -> memref<128xi32, #tpu.memory_space<vmem>>
      %dma_start3A_75 = arith.constant 0 : i32
      %dma_start3A_76 = arith.constant 0 : i32
      %dma_start3A_77 = tpu.memref_slice %arg2[%dma_start3A_75, %dma_start3A_76] : memref<16384x128xf32, #tpu.memory_space<hbm>> -> memref<16384x128xf32, #tpu.memory_space<hbm>>
      tpu.enqueue_indirect_dma source(%dma_start3A_77 : memref<16384x128xf32, #tpu.memory_space<hbm>>) target(%dma_start3A_72 : memref<128x128xf32, #tpu.memory_space<vmem>>) offsets(%dma_start3A_74 : memref<128xi32, #tpu.memory_space<vmem>>) semaphore(%run_scoped3A : memref<!tpu.dma_semaphore, #tpu.memory_space<semaphore_mem>>)
      %dma_wait3A_78 = arith.constant 256 : i32
      %dma_wait3A_79 = arith.constant 0 : i32
      %dma_wait3A_80 = tpu.memref_slice %arg6[%dma_wait3A_78, %dma_wait3A_79] : memref<512x128xf32, #tpu.memory_space<vmem>> -> memref<128x128xf32, #tpu.memory_space<vmem>>
      %dma_wait3A_81 = arith.constant 256 : i32
      %dma_wait3A_82 = tpu.memref_slice %arg5[%dma_wait3A_81] : memref<10752xi32, #tpu.memory_space<vmem>> -> memref<128xi32, #tpu.memory_space<vmem>>
      %dma_wait3A_83 = arith.constant 0 : i32
      %dma_wait3A_84 = arith.constant 0 : i32
      %dma_wait3A_85 = tpu.memref_slice %arg2[%dma_wait3A_83, %dma_wait3A_84] : memref<16384x128xf32, #tpu.memory_space<hbm>> -> memref<16384x128xf32, #tpu.memory_space<hbm>>
      tpu.wait_indirect_dma semaphore(%run_scoped3A : memref<!tpu.dma_semaphore, #tpu.memory_space<semaphore_mem>>) src(%dma_wait3A_85 : memref<16384x128xf32, #tpu.memory_space<hbm>>) dst(%dma_wait3A_80 : memref<128x128xf32, #tpu.memory_space<vmem>>)
      tpu.yield
    }) : () -> ()
    "tpu.region"() ({
      %run_scoped3A = tpu.sem_alloc : memref<!tpu.dma_semaphore, #tpu.memory_space<semaphore_mem>>
      %dma_start3A_70 = arith.constant 384 : i32
      %dma_start3A_71 = arith.constant 0 : i32
      %dma_start3A_72 = tpu.memref_slice %arg6[%dma_start3A_70, %dma_start3A_71] : memref<512x128xf32, #tpu.memory_space<vmem>> -> memref<128x128xf32, #tpu.memory_space<vmem>>
      %dma_start3A_73 = arith.constant 384 : i32
      %dma_start3A_74 = tpu.memref_slice %arg5[%dma_start3A_73] : memref<10752xi32, #tpu.memory_space<vmem>> -> memref<128xi32, #tpu.memory_space<vmem>>
      %dma_start3A_75 = arith.constant 0 : i32
      %dma_start3A_76 = arith.constant 0 : i32
      %dma_start3A_77 = tpu.memref_slice %arg2[%dma_start3A_75, %dma_start3A_76] : memref<16384x128xf32, #tpu.memory_space<hbm>> -> memref<16384x128xf32, #tpu.memory_space<hbm>>
      tpu.enqueue_indirect_dma source(%dma_start3A_77 : memref<16384x128xf32, #tpu.memory_space<hbm>>) target(%dma_start3A_72 : memref<128x128xf32, #tpu.memory_space<vmem>>) offsets(%dma_start3A_74 : memref<128xi32, #tpu.memory_space<vmem>>) semaphore(%run_scoped3A : memref<!tpu.dma_semaphore, #tpu.memory_space<semaphore_mem>>)
      %dma_wait3A_78 = arith.constant 384 : i32
      %dma_wait3A_79 = arith.constant 0 : i32
      %dma_wait3A_80 = tpu.memref_slice %arg6[%dma_wait3A_78, %dma_wait3A_79] : memref<512x128xf32, #tpu.memory_space<vmem>> -> memref<128x128xf32, #tpu.memory_space<vmem>>
      %dma_wait3A_81 = arith.constant 384 : i32
      %dma_wait3A_82 = tpu.memref_slice %arg5[%dma_wait3A_81] : memref<10752xi32, #tpu.memory_space<vmem>> -> memref<128xi32, #tpu.memory_space<vmem>>
      %dma_wait3A_83 = arith.constant 0 : i32
      %dma_wait3A_84 = arith.constant 0 : i32
      %dma_wait3A_85 = tpu.memref_slice %arg2[%dma_wait3A_83, %dma_wait3A_84] : memref<16384x128xf32, #tpu.memory_space<hbm>> -> memref<16384x128xf32, #tpu.memory_space<hbm>>
      tpu.wait_indirect_dma semaphore(%run_scoped3A : memref<!tpu.dma_semaphore, #tpu.memory_space<semaphore_mem>>) src(%dma_wait3A_85 : memref<16384x128xf32, #tpu.memory_space<hbm>>) dst(%dma_wait3A_80 : memref<128x128xf32, #tpu.memory_space<vmem>>)
      tpu.yield
    }) : () -> ()
    %dma_start3A = arith.constant 0 : i32
    %dma_start3A_1 = arith.constant 0 : i32
    %dma_start3A_2 = tpu.memref_slice %arg6[%dma_start3A, %dma_start3A_1] : memref<512x128xf32, #tpu.memory_space<vmem>> -> memref<128x128xf32, #tpu.memory_space<vmem>>
    %dma_start3A_3 = arith.constant 512 : i32
    %dma_start3A_4 = tpu.memref_slice %arg5[%dma_start3A_3] : memref<10752xi32, #tpu.memory_space<vmem>> -> memref<128xi32, #tpu.memory_space<vmem>>
    %dma_start3A_5 = arith.constant 0 : i32
    %dma_start3A_6 = arith.constant 0 : i32
    %dma_start3A_7 = tpu.memref_slice %arg2[%dma_start3A_5, %dma_start3A_6] : memref<16384x128xf32, #tpu.memory_space<hbm>> -> memref<16384x128xf32, #tpu.memory_space<hbm>>
    tpu.enqueue_indirect_dma source(%dma_start3A_7 : memref<16384x128xf32, #tpu.memory_space<hbm>>) target(%dma_start3A_2 : memref<128x128xf32, #tpu.memory_space<vmem>>) offsets(%dma_start3A_4 : memref<128xi32, #tpu.memory_space<vmem>>) semaphore(%arg7 : memref<!tpu.dma_semaphore, #tpu.memory_space<semaphore_mem>>) {add = true}
    %dma_start3A_8 = arith.constant 128 : i32
    %dma_start3A_9 = arith.constant 0 : i32
    %dma_start3A_10 = tpu.memref_slice %arg6[%dma_start3A_8, %dma_start3A_9] : memref<512x128xf32, #tpu.memory_space<vmem>> -> memref<128x128xf32, #tpu.memory_space<vmem>>
    %dma_start3A_11 = arith.constant 640 : i32
    %dma_start3A_12 = tpu.memref_slice %arg5[%dma_start3A_11] : memref<10752xi32, #tpu.memory_space<vmem>> -> memref<128xi32, #tpu.memory_space<vmem>>
    %dma_start3A_13 = arith.constant 0 : i32
    %dma_start3A_14 = arith.constant 0 : i32
    %dma_start3A_15 = tpu.memref_slice %arg2[%dma_start3A_13, %dma_start3A_14] : memref<16384x128xf32, #tpu.memory_space<hbm>> -> memref<16384x128xf32, #tpu.memory_space<hbm>>
    tpu.enqueue_indirect_dma source(%dma_start3A_15 : memref<16384x128xf32, #tpu.memory_space<hbm>>) target(%dma_start3A_10 : memref<128x128xf32, #tpu.memory_space<vmem>>) offsets(%dma_start3A_12 : memref<128xi32, #tpu.memory_space<vmem>>) semaphore(%arg7 : memref<!tpu.dma_semaphore, #tpu.memory_space<semaphore_mem>>) {add = true}
    %dma_start3A_16 = arith.constant 256 : i32
    %dma_start3A_17 = arith.constant 0 : i32
    %dma_start3A_18 = tpu.memref_slice %arg6[%dma_start3A_16, %dma_start3A_17] : memref<512x128xf32, #tpu.memory_space<vmem>> -> memref<128x128xf32, #tpu.memory_space<vmem>>
    %dma_start3A_19 = arith.constant 768 : i32
    %dma_start3A_20 = tpu.memref_slice %arg5[%dma_start3A_19] : memref<10752xi32, #tpu.memory_space<vmem>> -> memref<128xi32, #tpu.memory_space<vmem>>
    %dma_start3A_21 = arith.constant 0 : i32
    %dma_start3A_22 = arith.constant 0 : i32
    %dma_start3A_23 = tpu.memref_slice %arg2[%dma_start3A_21, %dma_start3A_22] : memref<16384x128xf32, #tpu.memory_space<hbm>> -> memref<16384x128xf32, #tpu.memory_space<hbm>>
    tpu.enqueue_indirect_dma source(%dma_start3A_23 : memref<16384x128xf32, #tpu.memory_space<hbm>>) target(%dma_start3A_18 : memref<128x128xf32, #tpu.memory_space<vmem>>) offsets(%dma_start3A_20 : memref<128xi32, #tpu.memory_space<vmem>>) semaphore(%arg7 : memref<!tpu.dma_semaphore, #tpu.memory_space<semaphore_mem>>) {add = true}
    %dma_start3A_24 = arith.constant 384 : i32
    %dma_start3A_25 = arith.constant 0 : i32
    %dma_start3A_26 = tpu.memref_slice %arg6[%dma_start3A_24, %dma_start3A_25] : memref<512x128xf32, #tpu.memory_space<vmem>> -> memref<128x128xf32, #tpu.memory_space<vmem>>
    %dma_start3A_27 = arith.constant 896 : i32
    %dma_start3A_28 = tpu.memref_slice %arg5[%dma_start3A_27] : memref<10752xi32, #tpu.memory_space<vmem>> -> memref<128xi32, #tpu.memory_space<vmem>>
    %dma_start3A_29 = arith.constant 0 : i32
    %dma_start3A_30 = arith.constant 0 : i32
    %dma_start3A_31 = tpu.memref_slice %arg2[%dma_start3A_29, %dma_start3A_30] : memref<16384x128xf32, #tpu.memory_space<hbm>> -> memref<16384x128xf32, #tpu.memory_space<hbm>>
    tpu.enqueue_indirect_dma source(%dma_start3A_31 : memref<16384x128xf32, #tpu.memory_space<hbm>>) target(%dma_start3A_26 : memref<128x128xf32, #tpu.memory_space<vmem>>) offsets(%dma_start3A_28 : memref<128xi32, #tpu.memory_space<vmem>>) semaphore(%arg7 : memref<!tpu.dma_semaphore, #tpu.memory_space<semaphore_mem>>) {add = true}
    %scan3A = arith.constant 0 : i32
    %scan3A_32 = arith.constant 2 : i32
    %scan3A_33 = arith.constant 19 : i32
    %scan3A_34 = arith.addi %scan3A_32, %scan3A_33 : i32
    %scan3A_35 = arith.constant 1 : i32
    scf.for %scan3A_70 = %scan3A_32 to %scan3A_34 step %scan3A_35  : i32 {
      %mul3A_71 = arith.constant 4 : i32
      %mul3A_72 = arith.muli %scan3A_70, %mul3A_71 : i32
      %add3A_73 = arith.constant 0 : i32
      %add3A_74 = arith.addi %mul3A_72, %add3A_73 : i32
      %mul3A_75 = arith.constant 128 : i32
      %mul3A_76 = arith.muli %add3A_74, %mul3A_75 : i32
      %dma_start3A_77 = arith.constant 0 : i32
      %dma_start3A_78 = arith.constant 0 : i32
      %dma_start3A_79 = tpu.memref_slice %arg6[%dma_start3A_77, %dma_start3A_78] : memref<512x128xf32, #tpu.memory_space<vmem>> -> memref<128x128xf32, #tpu.memory_space<vmem>>
      %dma_start3A_80 = tpu.memref_slice %arg5[%mul3A_76] : memref<10752xi32, #tpu.memory_space<vmem>> -> memref<128xi32, #tpu.memory_space<vmem>>
      %dma_start3A_81 = arith.constant 0 : i32
      %dma_start3A_82 = arith.constant 0 : i32
      %dma_start3A_83 = tpu.memref_slice %arg2[%dma_start3A_81, %dma_start3A_82] : memref<16384x128xf32, #tpu.memory_space<hbm>> -> memref<16384x128xf32, #tpu.memory_space<hbm>>
      tpu.enqueue_indirect_dma source(%dma_start3A_83 : memref<16384x128xf32, #tpu.memory_space<hbm>>) target(%dma_start3A_79 : memref<128x128xf32, #tpu.memory_space<vmem>>) offsets(%dma_start3A_80 : memref<128xi32, #tpu.memory_space<vmem>>) semaphore(%arg7 : memref<!tpu.dma_semaphore, #tpu.memory_space<semaphore_mem>>) {add = true}
      %mul3A_84 = arith.constant 4 : i32
      %mul3A_85 = arith.muli %scan3A_70, %mul3A_84 : i32
      %add3A_86 = arith.constant 1 : i32
      %add3A_87 = arith.addi %mul3A_85, %add3A_86 : i32
      %mul3A_88 = arith.constant 128 : i32
      %mul3A_89 = arith.muli %add3A_87, %mul3A_88 : i32
      %dma_start3A_90 = arith.constant 128 : i32
      %dma_start3A_91 = arith.constant 0 : i32
      %dma_start3A_92 = tpu.memref_slice %arg6[%dma_start3A_90, %dma_start3A_91] : memref<512x128xf32, #tpu.memory_space<vmem>> -> memref<128x128xf32, #tpu.memory_space<vmem>>
      %dma_start3A_93 = tpu.memref_slice %arg5[%mul3A_89] : memref<10752xi32, #tpu.memory_space<vmem>> -> memref<128xi32, #tpu.memory_space<vmem>>
      %dma_start3A_94 = arith.constant 0 : i32
      %dma_start3A_95 = arith.constant 0 : i32
      %dma_start3A_96 = tpu.memref_slice %arg2[%dma_start3A_94, %dma_start3A_95] : memref<16384x128xf32, #tpu.memory_space<hbm>> -> memref<16384x128xf32, #tpu.memory_space<hbm>>
      tpu.enqueue_indirect_dma source(%dma_start3A_96 : memref<16384x128xf32, #tpu.memory_space<hbm>>) target(%dma_start3A_92 : memref<128x128xf32, #tpu.memory_space<vmem>>) offsets(%dma_start3A_93 : memref<128xi32, #tpu.memory_space<vmem>>) semaphore(%arg7 : memref<!tpu.dma_semaphore, #tpu.memory_space<semaphore_mem>>) {add = true}
      %mul3A_97 = arith.constant 4 : i32
      %mul3A_98 = arith.muli %scan3A_70, %mul3A_97 : i32
      %add3A_99 = arith.constant 2 : i32
      %add3A_100 = arith.addi %mul3A_98, %add3A_99 : i32
      %mul3A_101 = arith.constant 128 : i32
      %mul3A_102 = arith.muli %add3A_100, %mul3A_101 : i32
      %dma_start3A_103 = arith.constant 256 : i32
      %dma_start3A_104 = arith.constant 0 : i32
      %dma_start3A_105 = tpu.memref_slice %arg6[%dma_start3A_103, %dma_start3A_104] : memref<512x128xf32, #tpu.memory_space<vmem>> -> memref<128x128xf32, #tpu.memory_space<vmem>>
      %dma_start3A_106 = tpu.memref_slice %arg5[%mul3A_102] : memref<10752xi32, #tpu.memory_space<vmem>> -> memref<128xi32, #tpu.memory_space<vmem>>
      %dma_start3A_107 = arith.constant 0 : i32
      %dma_start3A_108 = arith.constant 0 : i32
      %dma_start3A_109 = tpu.memref_slice %arg2[%dma_start3A_107, %dma_start3A_108] : memref<16384x128xf32, #tpu.memory_space<hbm>> -> memref<16384x128xf32, #tpu.memory_space<hbm>>
      tpu.enqueue_indirect_dma source(%dma_start3A_109 : memref<16384x128xf32, #tpu.memory_space<hbm>>) target(%dma_start3A_105 : memref<128x128xf32, #tpu.memory_space<vmem>>) offsets(%dma_start3A_106 : memref<128xi32, #tpu.memory_space<vmem>>) semaphore(%arg7 : memref<!tpu.dma_semaphore, #tpu.memory_space<semaphore_mem>>) {add = true}
      %mul3A_110 = arith.constant 4 : i32
      %mul3A_111 = arith.muli %scan3A_70, %mul3A_110 : i32
      %add3A_112 = arith.constant 3 : i32
      %add3A_113 = arith.addi %mul3A_111, %add3A_112 : i32
      %mul3A_114 = arith.constant 128 : i32
      %mul3A_115 = arith.muli %add3A_113, %mul3A_114 : i32
      %dma_start3A_116 = arith.constant 384 : i32
      %dma_start3A_117 = arith.constant 0 : i32
      %dma_start3A_118 = tpu.memref_slice %arg6[%dma_start3A_116, %dma_start3A_117] : memref<512x128xf32, #tpu.memory_space<vmem>> -> memref<128x128xf32, #tpu.memory_space<vmem>>
      %dma_start3A_119 = tpu.memref_slice %arg5[%mul3A_115] : memref<10752xi32, #tpu.memory_space<vmem>> -> memref<128xi32, #tpu.memory_space<vmem>>
      %dma_start3A_120 = arith.constant 0 : i32
      %dma_start3A_121 = arith.constant 0 : i32
      %dma_start3A_122 = tpu.memref_slice %arg2[%dma_start3A_120, %dma_start3A_121] : memref<16384x128xf32, #tpu.memory_space<hbm>> -> memref<16384x128xf32, #tpu.memory_space<hbm>>
      tpu.enqueue_indirect_dma source(%dma_start3A_122 : memref<16384x128xf32, #tpu.memory_space<hbm>>) target(%dma_start3A_118 : memref<128x128xf32, #tpu.memory_space<vmem>>) offsets(%dma_start3A_119 : memref<128xi32, #tpu.memory_space<vmem>>) semaphore(%arg7 : memref<!tpu.dma_semaphore, #tpu.memory_space<semaphore_mem>>) {add = true}
      %dma_wait3A_123 = arith.constant 0 : i32
      %dma_wait3A_124 = arith.constant 0 : i32
      %dma_wait3A_125 = tpu.memref_slice %arg6[%dma_wait3A_123, %dma_wait3A_124] : memref<512x128xf32, #tpu.memory_space<vmem>> -> memref<128x128xf32, #tpu.memory_space<vmem>>
      %dma_wait3A_126 = arith.constant 0 : i32
      %dma_wait3A_127 = tpu.memref_slice %arg5[%dma_wait3A_126] : memref<10752xi32, #tpu.memory_space<vmem>> -> memref<128xi32, #tpu.memory_space<vmem>>
      %dma_wait3A_128 = arith.constant 0 : i32
      %dma_wait3A_129 = arith.constant 0 : i32
      %dma_wait3A_130 = tpu.memref_slice %arg2[%dma_wait3A_128, %dma_wait3A_129] : memref<16384x128xf32, #tpu.memory_space<hbm>> -> memref<16384x128xf32, #tpu.memory_space<hbm>>
      tpu.wait_indirect_dma semaphore(%arg7 : memref<!tpu.dma_semaphore, #tpu.memory_space<semaphore_mem>>) src(%dma_wait3A_130 : memref<16384x128xf32, #tpu.memory_space<hbm>>) dst(%dma_wait3A_125 : memref<128x128xf32, #tpu.memory_space<vmem>>)
      %dma_wait3A_131 = arith.constant 128 : i32
      %dma_wait3A_132 = arith.constant 0 : i32
      %dma_wait3A_133 = tpu.memref_slice %arg6[%dma_wait3A_131, %dma_wait3A_132] : memref<512x128xf32, #tpu.memory_space<vmem>> -> memref<128x128xf32, #tpu.memory_space<vmem>>
      %dma_wait3A_134 = arith.constant 128 : i32
      %dma_wait3A_135 = tpu.memref_slice %arg5[%dma_wait3A_134] : memref<10752xi32, #tpu.memory_space<vmem>> -> memref<128xi32, #tpu.memory_space<vmem>>
      %dma_wait3A_136 = arith.constant 0 : i32
      %dma_wait3A_137 = arith.constant 0 : i32
      %dma_wait3A_138 = tpu.memref_slice %arg2[%dma_wait3A_136, %dma_wait3A_137] : memref<16384x128xf32, #tpu.memory_space<hbm>> -> memref<16384x128xf32, #tpu.memory_space<hbm>>
      tpu.wait_indirect_dma semaphore(%arg7 : memref<!tpu.dma_semaphore, #tpu.memory_space<semaphore_mem>>) src(%dma_wait3A_138 : memref<16384x128xf32, #tpu.memory_space<hbm>>) dst(%dma_wait3A_133 : memref<128x128xf32, #tpu.memory_space<vmem>>)
      %dma_wait3A_139 = arith.constant 256 : i32
      %dma_wait3A_140 = arith.constant 0 : i32
      %dma_wait3A_141 = tpu.memref_slice %arg6[%dma_wait3A_139, %dma_wait3A_140] : memref<512x128xf32, #tpu.memory_space<vmem>> -> memref<128x128xf32, #tpu.memory_space<vmem>>
      %dma_wait3A_142 = arith.constant 256 : i32
      %dma_wait3A_143 = tpu.memref_slice %arg5[%dma_wait3A_142] : memref<10752xi32, #tpu.memory_space<vmem>> -> memref<128xi32, #tpu.memory_space<vmem>>
      %dma_wait3A_144 = arith.constant 0 : i32
      %dma_wait3A_145 = arith.constant 0 : i32
      %dma_wait3A_146 = tpu.memref_slice %arg2[%dma_wait3A_144, %dma_wait3A_145] : memref<16384x128xf32, #tpu.memory_space<hbm>> -> memref<16384x128xf32, #tpu.memory_space<hbm>>
      tpu.wait_indirect_dma semaphore(%arg7 : memref<!tpu.dma_semaphore, #tpu.memory_space<semaphore_mem>>) src(%dma_wait3A_146 : memref<16384x128xf32, #tpu.memory_space<hbm>>) dst(%dma_wait3A_141 : memref<128x128xf32, #tpu.memory_space<vmem>>)
      %dma_wait3A_147 = arith.constant 384 : i32
      %dma_wait3A_148 = arith.constant 0 : i32
      %dma_wait3A_149 = tpu.memref_slice %arg6[%dma_wait3A_147, %dma_wait3A_148] : memref<512x128xf32, #tpu.memory_space<vmem>> -> memref<128x128xf32, #tpu.memory_space<vmem>>
      %dma_wait3A_150 = arith.constant 384 : i32
      %dma_wait3A_151 = tpu.memref_slice %arg5[%dma_wait3A_150] : memref<10752xi32, #tpu.memory_space<vmem>> -> memref<128xi32, #tpu.memory_space<vmem>>
      %dma_wait3A_152 = arith.constant 0 : i32
      %dma_wait3A_153 = arith.constant 0 : i32
      %dma_wait3A_154 = tpu.memref_slice %arg2[%dma_wait3A_152, %dma_wait3A_153] : memref<16384x128xf32, #tpu.memory_space<hbm>> -> memref<16384x128xf32, #tpu.memory_space<hbm>>
      tpu.wait_indirect_dma semaphore(%arg7 : memref<!tpu.dma_semaphore, #tpu.memory_space<semaphore_mem>>) src(%dma_wait3A_154 : memref<16384x128xf32, #tpu.memory_space<hbm>>) dst(%dma_wait3A_149 : memref<128x128xf32, #tpu.memory_space<vmem>>)
    }
    %scan3A_36 = arith.constant 19 : i32
    %dma_wait3A = arith.constant 0 : i32
    %dma_wait3A_37 = arith.constant 0 : i32
    %dma_wait3A_38 = tpu.memref_slice %arg6[%dma_wait3A, %dma_wait3A_37] : memref<512x128xf32, #tpu.memory_space<vmem>> -> memref<128x128xf32, #tpu.memory_space<vmem>>
    %dma_wait3A_39 = arith.constant 0 : i32
    %dma_wait3A_40 = tpu.memref_slice %arg5[%dma_wait3A_39] : memref<10752xi32, #tpu.memory_space<vmem>> -> memref<128xi32, #tpu.memory_space<vmem>>
    %dma_wait3A_41 = arith.constant 0 : i32
    %dma_wait3A_42 = arith.constant 0 : i32
    %dma_wait3A_43 = tpu.memref_slice %arg2[%dma_wait3A_41, %dma_wait3A_42] : memref<16384x128xf32, #tpu.memory_space<hbm>> -> memref<16384x128xf32, #tpu.memory_space<hbm>>
    tpu.wait_indirect_dma semaphore(%arg7 : memref<!tpu.dma_semaphore, #tpu.memory_space<semaphore_mem>>) src(%dma_wait3A_43 : memref<16384x128xf32, #tpu.memory_space<hbm>>) dst(%dma_wait3A_38 : memref<128x128xf32, #tpu.memory_space<vmem>>)
    %dma_wait3A_44 = arith.constant 128 : i32
    %dma_wait3A_45 = arith.constant 0 : i32
    %dma_wait3A_46 = tpu.memref_slice %arg6[%dma_wait3A_44, %dma_wait3A_45] : memref<512x128xf32, #tpu.memory_space<vmem>> -> memref<128x128xf32, #tpu.memory_space<vmem>>
    %dma_wait3A_47 = arith.constant 128 : i32
    %dma_wait3A_48 = tpu.memref_slice %arg5[%dma_wait3A_47] : memref<10752xi32, #tpu.memory_space<vmem>> -> memref<128xi32, #tpu.memory_space<vmem>>
    %dma_wait3A_49 = arith.constant 0 : i32
    %dma_wait3A_50 = arith.constant 0 : i32
    %dma_wait3A_51 = tpu.memref_slice %arg2[%dma_wait3A_49, %dma_wait3A_50] : memref<16384x128xf32, #tpu.memory_space<hbm>> -> memref<16384x128xf32, #tpu.memory_space<hbm>>
    tpu.wait_indirect_dma semaphore(%arg7 : memref<!tpu.dma_semaphore, #tpu.memory_space<semaphore_mem>>) src(%dma_wait3A_51 : memref<16384x128xf32, #tpu.memory_space<hbm>>) dst(%dma_wait3A_46 : memref<128x128xf32, #tpu.memory_space<vmem>>)
    %dma_wait3A_52 = arith.constant 256 : i32
    %dma_wait3A_53 = arith.constant 0 : i32
    %dma_wait3A_54 = tpu.memref_slice %arg6[%dma_wait3A_52, %dma_wait3A_53] : memref<512x128xf32, #tpu.memory_space<vmem>> -> memref<128x128xf32, #tpu.memory_space<vmem>>
    %dma_wait3A_55 = arith.constant 256 : i32
    %dma_wait3A_56 = tpu.memref_slice %arg5[%dma_wait3A_55] : memref<10752xi32, #tpu.memory_space<vmem>> -> memref<128xi32, #tpu.memory_space<vmem>>
    %dma_wait3A_57 = arith.constant 0 : i32
    %dma_wait3A_58 = arith.constant 0 : i32
    %dma_wait3A_59 = tpu.memref_slice %arg2[%dma_wait3A_57, %dma_wait3A_58] : memref<16384x128xf32, #tpu.memory_space<hbm>> -> memref<16384x128xf32, #tpu.memory_space<hbm>>
    tpu.wait_indirect_dma semaphore(%arg7 : memref<!tpu.dma_semaphore, #tpu.memory_space<semaphore_mem>>) src(%dma_wait3A_59 : memref<16384x128xf32, #tpu.memory_space<hbm>>) dst(%dma_wait3A_54 : memref<128x128xf32, #tpu.memory_space<vmem>>)
    %dma_wait3A_60 = arith.constant 384 : i32
    %dma_wait3A_61 = arith.constant 0 : i32
    %dma_wait3A_62 = tpu.memref_slice %arg6[%dma_wait3A_60, %dma_wait3A_61] : memref<512x128xf32, #tpu.memory_space<vmem>> -> memref<128x128xf32, #tpu.memory_space<vmem>>
    %dma_wait3A_63 = arith.constant 384 : i32
    %dma_wait3A_64 = tpu.memref_slice %arg5[%dma_wait3A_63] : memref<10752xi32, #tpu.memory_space<vmem>> -> memref<128xi32, #tpu.memory_space<vmem>>
    %dma_wait3A_65 = arith.constant 0 : i32
    %dma_wait3A_66 = arith.constant 0 : i32
    %dma_wait3A_67 = tpu.memref_slice %arg2[%dma_wait3A_65, %dma_wait3A_66] : memref<16384x128xf32, #tpu.memory_space<hbm>> -> memref<16384x128xf32, #tpu.memory_space<hbm>>
    tpu.wait_indirect_dma semaphore(%arg7 : memref<!tpu.dma_semaphore, #tpu.memory_space<semaphore_mem>>) src(%dma_wait3A_67 : memref<16384x128xf32, #tpu.memory_space<hbm>>) dst(%dma_wait3A_62 : memref<128x128xf32, #tpu.memory_space<vmem>>)
    %mul3A_68 = arith.constant 512 : i32
    %mul3A_69 = arith.muli %add3A, %mul3A_68 : i32
    "tpu.region"() ({
      %run_scoped3A = tpu.sem_alloc : memref<!tpu.dma_semaphore, #tpu.memory_space<semaphore_mem>>
      %dma_start3A_70 = arith.constant 0 : i32
      %dma_start3A_71 = tpu.memref_slice %arg4[%mul3A_69, %dma_start3A_70] : memref<16384x128xf32, #tpu.memory_space<hbm>> -> memref<512x128xf32, #tpu.memory_space<hbm>>
      %dma_start3A_72 = arith.constant 0 : i32
      %dma_start3A_73 = tpu.memref_slice %arg4[%mul3A_69, %dma_start3A_72] : memref<16384x128xf32, #tpu.memory_space<hbm>> -> memref<512x128xf32, #tpu.memory_space<hbm>>
      tpu.enqueue_dma source(%arg6 : memref<512x128xf32, #tpu.memory_space<vmem>>) target(%dma_start3A_73 : memref<512x128xf32, #tpu.memory_space<hbm>>) target_semaphore(%run_scoped3A : memref<!tpu.dma_semaphore, #tpu.memory_space<semaphore_mem>>)
      %dma_wait3A_74 = arith.constant 0 : i32
      %dma_wait3A_75 = tpu.memref_slice %arg4[%mul3A_69, %dma_wait3A_74] : memref<16384x128xf32, #tpu.memory_space<hbm>> -> memref<512x128xf32, #tpu.memory_space<hbm>>
      %dma_wait3A_76 = arith.constant 0 : i32
      %dma_wait3A_77 = tpu.memref_slice %arg4[%mul3A_69, %dma_wait3A_76] : memref<16384x128xf32, #tpu.memory_space<hbm>> -> memref<512x128xf32, #tpu.memory_space<hbm>>
      tpu.wait_dma2 semaphore(%run_scoped3A : memref<!tpu.dma_semaphore, #tpu.memory_space<semaphore_mem>>) src(%arg6 : memref<512x128xf32, #tpu.memory_space<vmem>>) dst(%dma_wait3A_77 : memref<512x128xf32, #tpu.memory_space<hbm>>)
      tpu.yield
    }) : () -> ()
    return
  }
}

module attributes {stable_mosaic.version = 14 : i64} {
  func.func @_knn_body(%arg0: i32, %arg1: i32, %arg2: memref<1x512x48xf32, #tpu.memory_space<vmem>>, %arg3: memref<1x48x2048xf32, #tpu.memory_space<vmem>>, %arg4: memref<1x21x512xi32, #tpu.memory_space<vmem>>, %arg5: memref<1x1x2048xf32, #tpu.memory_space<vmem>>) attributes {dimension_semantics = [#tpu.dimension_semantics<arbitrary>, #tpu.dimension_semantics<arbitrary>], iteration_bounds = array<i64: 8, 4>, scalar_prefetch = 0 : i64, scratch_operands = 0 : i64, tpu.core_type = #tpu.core_type<tc>, window_params = [{transform_indices = @transform_0, window_bounds = array<i64: 1, 512, 48>}, {transform_indices = @transform_1, window_bounds = array<i64: 1, 48, 2048>}, {transform_indices = @transform_2, window_bounds = array<i64: 1, 21, 512>}, {transform_indices = @transform_3, window_bounds = array<i64: 1, 1, 2048>}]} {
    %get3A = arith.constant 0 : index
    %get3A_0 = arith.constant 0 : index
    %get3A_1 = arith.constant 0 : index
    %get3A_2 = vector.load %arg2[%get3A, %get3A_0, %get3A_1] : memref<1x512x48xf32, #tpu.memory_space<vmem>>, vector<1x512x48xf32>
    %get3A_3 = vector.shape_cast %get3A_2 : vector<1x512x48xf32> to vector<512x48xf32>
    %get3A_4 = arith.constant 0 : index
    %get3A_5 = arith.constant 0 : index
    %get3A_6 = arith.constant 0 : index
    %get3A_7 = vector.load %arg3[%get3A_4, %get3A_5, %get3A_6] : memref<1x48x2048xf32, #tpu.memory_space<vmem>>, vector<1x48x2048xf32>
    %get3A_8 = vector.shape_cast %get3A_7 : vector<1x48x2048xf32> to vector<48x2048xf32>
    %mul3A = arith.mulf %get3A_8, %get3A_8 : vector<48x2048xf32>
    %reduce_sum3A = arith.constant dense<0.000000e+00> : vector<2048xf32>
    %reduce_sum3A_9 = vector.multi_reduction <add>, %mul3A, %reduce_sum3A [0] : vector<48x2048xf32> to vector<2048xf32>
    %broadcast_in_dim3A = vector.shape_cast %reduce_sum3A_9 : vector<2048xf32> to vector<1x2048xf32>
    %mul3A_10 = arith.mulf %get3A_3, %get3A_3 : vector<512x48xf32>
    %reduce_sum3A_11 = arith.constant dense<0.000000e+00> : vector<512xf32>
    %reduce_sum3A_12 = vector.multi_reduction <add>, %mul3A_10, %reduce_sum3A_11 [1] : vector<512x48xf32> to vector<512xf32>
    %broadcast_in_dim3A_13 = vector.shape_cast %reduce_sum3A_12 : vector<512xf32> to vector<512x1xf32>
    %dot_general3A = arith.constant dense<0.000000e+00> : vector<512x2048xf32>
    %dot_general3A_14 = tpu.matmul %get3A_3, %get3A_8, %dot_general3A {dimension_numbers = #tpu.dot_dimension_numbers<[1], [0], [0], [1], [0, 0, 1, 1], [], []>, transpose_lhs_hint = false} : vector<512x48xf32>, vector<48x2048xf32>, vector<512x2048xf32> -> vector<512x2048xf32>
    %mul3A_15 = arith.constant 2.000000e+00 : f32
    %mul3A_16 = vector.broadcast %mul3A_15 : f32 to vector<512x2048xf32>
    %mul3A_17 = arith.mulf %mul3A_16, %dot_general3A_14 : vector<512x2048xf32>
    %sub3A = vector.broadcast %broadcast_in_dim3A_13 : vector<512x1xf32> to vector<512x2048xf32>
    %sub3A_18 = arith.subf %mul3A_17, %sub3A : vector<512x2048xf32>
    %sub3A_19 = vector.broadcast %broadcast_in_dim3A : vector<1x2048xf32> to vector<512x2048xf32>
    %sub3A_20 = arith.subf %sub3A_18, %sub3A_19 : vector<512x2048xf32>
    %iota3A = tpu.iota {dimensions = array<i32: 1>} : vector<512x2048xi32>
    %convert_element_type3A = arith.sitofp %iota3A : vector<512x2048xi32> to vector<512x2048xf32>
    %reduce_max3A = arith.constant dense<0xFF800000> : vector<512xf32>
    %reduce_max3A_21 = vector.multi_reduction <maximumf>, %sub3A_20, %reduce_max3A [1] : vector<512x2048xf32> to vector<512xf32>
    %broadcast_in_dim3A_22 = vector.shape_cast %reduce_max3A_21 : vector<512xf32> to vector<512x1xf32>
    %eq3A = vector.broadcast %broadcast_in_dim3A_22 : vector<512x1xf32> to vector<512x2048xf32>
    %eq3A_23 = arith.cmpf oeq, %sub3A_20, %eq3A : vector<512x2048xf32>
    %jit3A = arith.constant 2.048000e+03 : f32
    %broadcast_in_dim3A_24 = vector.broadcast %jit3A : f32 to vector<512x2048xf32>
    %select_n3A = arith.select %eq3A_23, %convert_element_type3A, %broadcast_in_dim3A_24 : vector<512x2048xi1>, vector<512x2048xf32>
    %reduce_min3A = arith.constant dense<0x7F800000> : vector<512xf32>
    %reduce_min3A_25 = vector.multi_reduction <minimumf>, %select_n3A, %reduce_min3A [1] : vector<512x2048xf32> to vector<512xf32>
    %convert_element_type3A_26 = arith.fptosi %reduce_min3A_25 : vector<512xf32> to vector<512xi32>
    %mul3A_27 = arith.constant 2048 : i32
    %mul3A_28 = arith.muli %arg0, %mul3A_27 : i32
    %add3A = vector.broadcast %mul3A_28 : i32 to vector<512xi32>
    %add3A_29 = arith.addi %convert_element_type3A_26, %add3A : vector<512xi32>
    %swap3A = arith.constant 0 : index
    %swap3A_30 = arith.constant 0 : index
    %swap3A_31 = arith.constant 0 : index
    %swap3A_32 = vector.load %arg4[%swap3A, %swap3A_30, %swap3A_31] : memref<1x21x512xi32, #tpu.memory_space<vmem>>, vector<1x1x512xi32>
    %swap3A_33 = vector.shape_cast %swap3A_32 : vector<1x1x512xi32> to vector<512xi32>
    %swap3A_34 = vector.shape_cast %add3A_29 : vector<512xi32> to vector<1x1x512xi32>
    tpu.vector_store %arg4[%swap3A, %swap3A_30, %swap3A_31], %swap3A_34 {strides = array<i32>} : memref<1x21x512xi32, #tpu.memory_space<vmem>>, vector<1x1x512xi32>,
    %broadcast_in_dim3A_35 = vector.shape_cast %reduce_min3A_25 : vector<512xf32> to vector<512x1xf32>
    %eq3A_36 = vector.broadcast %broadcast_in_dim3A_35 : vector<512x1xf32> to vector<512x2048xf32>
    %eq3A_37 = arith.cmpf oeq, %convert_element_type3A, %eq3A_36 : vector<512x2048xf32>
    %jit3A_38 = arith.constant 0xFF800000 : f32
    %broadcast_in_dim3A_39 = vector.broadcast %jit3A_38 : f32 to vector<512x2048xf32>
    %select_n3A_40 = arith.select %eq3A_37, %broadcast_in_dim3A_39, %sub3A_20 : vector<512x2048xi1>, vector<512x2048xf32>
    %reduce_max3A_41 = arith.constant dense<0xFF800000> : vector<512xf32>
    %reduce_max3A_42 = vector.multi_reduction <maximumf>, %select_n3A_40, %reduce_max3A_41 [1] : vector<512x2048xf32> to vector<512xf32>
    %broadcast_in_dim3A_43 = vector.shape_cast %reduce_max3A_42 : vector<512xf32> to vector<512x1xf32>
    %eq3A_44 = vector.broadcast %broadcast_in_dim3A_43 : vector<512x1xf32> to vector<512x2048xf32>
    %eq3A_45 = arith.cmpf oeq, %select_n3A_40, %eq3A_44 : vector<512x2048xf32>
    %jit3A_46 = arith.constant 2.048000e+03 : f32
    %broadcast_in_dim3A_47 = vector.broadcast %jit3A_46 : f32 to vector<512x2048xf32>
    %select_n3A_48 = arith.select %eq3A_45, %convert_element_type3A, %broadcast_in_dim3A_47 : vector<512x2048xi1>, vector<512x2048xf32>
    %reduce_min3A_49 = arith.constant dense<0x7F800000> : vector<512xf32>
    %reduce_min3A_50 = vector.multi_reduction <minimumf>, %select_n3A_48, %reduce_min3A_49 [1] : vector<512x2048xf32> to vector<512xf32>
    %convert_element_type3A_51 = arith.fptosi %reduce_min3A_50 : vector<512xf32> to vector<512xi32>
    %mul3A_52 = arith.constant 2048 : i32
    %mul3A_53 = arith.muli %arg0, %mul3A_52 : i32
    %add3A_54 = vector.broadcast %mul3A_53 : i32 to vector<512xi32>
    %add3A_55 = arith.addi %convert_element_type3A_51, %add3A_54 : vector<512xi32>
    %swap3A_56 = arith.constant 0 : index
    %swap3A_57 = arith.constant 1 : index
    %swap3A_58 = arith.constant 0 : index
    %swap3A_59 = vector.load %arg4[%swap3A_56, %swap3A_57, %swap3A_58] : memref<1x21x512xi32, #tpu.memory_space<vmem>>, vector<1x1x512xi32>
    %swap3A_60 = vector.shape_cast %swap3A_59 : vector<1x1x512xi32> to vector<512xi32>
    %swap3A_61 = vector.shape_cast %add3A_55 : vector<512xi32> to vector<1x1x512xi32>
    tpu.vector_store %arg4[%swap3A_56, %swap3A_57, %swap3A_58], %swap3A_61 {strides = array<i32>} : memref<1x21x512xi32, #tpu.memory_space<vmem>>, vector<1x1x512xi32>,
    %broadcast_in_dim3A_62 = vector.shape_cast %reduce_min3A_50 : vector<512xf32> to vector<512x1xf32>
    %eq3A_63 = vector.broadcast %broadcast_in_dim3A_62 : vector<512x1xf32> to vector<512x2048xf32>
    %eq3A_64 = arith.cmpf oeq, %convert_element_type3A, %eq3A_63 : vector<512x2048xf32>
    %jit3A_65 = arith.constant 0xFF800000 : f32
    %broadcast_in_dim3A_66 = vector.broadcast %jit3A_65 : f32 to vector<512x2048xf32>
    %select_n3A_67 = arith.select %eq3A_64, %broadcast_in_dim3A_66, %select_n3A_40 : vector<512x2048xi1>, vector<512x2048xf32>
    %reduce_max3A_68 = arith.constant dense<0xFF800000> : vector<512xf32>
    %reduce_max3A_69 = vector.multi_reduction <maximumf>, %select_n3A_67, %reduce_max3A_68 [1] : vector<512x2048xf32> to vector<512xf32>
    %broadcast_in_dim3A_70 = vector.shape_cast %reduce_max3A_69 : vector<512xf32> to vector<512x1xf32>
    %eq3A_71 = vector.broadcast %broadcast_in_dim3A_70 : vector<512x1xf32> to vector<512x2048xf32>
    %eq3A_72 = arith.cmpf oeq, %select_n3A_67, %eq3A_71 : vector<512x2048xf32>
    %jit3A_73 = arith.constant 2.048000e+03 : f32
    %broadcast_in_dim3A_74 = vector.broadcast %jit3A_73 : f32 to vector<512x2048xf32>
    %select_n3A_75 = arith.select %eq3A_72, %convert_element_type3A, %broadcast_in_dim3A_74 : vector<512x2048xi1>, vector<512x2048xf32>
    %reduce_min3A_76 = arith.constant dense<0x7F800000> : vector<512xf32>
    %reduce_min3A_77 = vector.multi_reduction <minimumf>, %select_n3A_75, %reduce_min3A_76 [1] : vector<512x2048xf32> to vector<512xf32>
    %convert_element_type3A_78 = arith.fptosi %reduce_min3A_77 : vector<512xf32> to vector<512xi32>
    %mul3A_79 = arith.constant 2048 : i32
    %mul3A_80 = arith.muli %arg0, %mul3A_79 : i32
    %add3A_81 = vector.broadcast %mul3A_80 : i32 to vector<512xi32>
    %add3A_82 = arith.addi %convert_element_type3A_78, %add3A_81 : vector<512xi32>
    %swap3A_83 = arith.constant 0 : index
    %swap3A_84 = arith.constant 2 : index
    %swap3A_85 = arith.constant 0 : index
    %swap3A_86 = vector.load %arg4[%swap3A_83, %swap3A_84, %swap3A_85] : memref<1x21x512xi32, #tpu.memory_space<vmem>>, vector<1x1x512xi32>
    %swap3A_87 = vector.shape_cast %swap3A_86 : vector<1x1x512xi32> to vector<512xi32>
    %swap3A_88 = vector.shape_cast %add3A_82 : vector<512xi32> to vector<1x1x512xi32>
    tpu.vector_store %arg4[%swap3A_83, %swap3A_84, %swap3A_85], %swap3A_88 {strides = array<i32>} : memref<1x21x512xi32, #tpu.memory_space<vmem>>, vector<1x1x512xi32>,
    %broadcast_in_dim3A_89 = vector.shape_cast %reduce_min3A_77 : vector<512xf32> to vector<512x1xf32>
    %eq3A_90 = vector.broadcast %broadcast_in_dim3A_89 : vector<512x1xf32> to vector<512x2048xf32>
    %eq3A_91 = arith.cmpf oeq, %convert_element_type3A, %eq3A_90 : vector<512x2048xf32>
    %jit3A_92 = arith.constant 0xFF800000 : f32
    %broadcast_in_dim3A_93 = vector.broadcast %jit3A_92 : f32 to vector<512x2048xf32>
    %select_n3A_94 = arith.select %eq3A_91, %broadcast_in_dim3A_93, %select_n3A_67 : vector<512x2048xi1>, vector<512x2048xf32>
    %reduce_max3A_95 = arith.constant dense<0xFF800000> : vector<512xf32>
    %reduce_max3A_96 = vector.multi_reduction <maximumf>, %select_n3A_94, %reduce_max3A_95 [1] : vector<512x2048xf32> to vector<512xf32>
    %broadcast_in_dim3A_97 = vector.shape_cast %reduce_max3A_96 : vector<512xf32> to vector<512x1xf32>
    %eq3A_98 = vector.broadcast %broadcast_in_dim3A_97 : vector<512x1xf32> to vector<512x2048xf32>
    %eq3A_99 = arith.cmpf oeq, %select_n3A_94, %eq3A_98 : vector<512x2048xf32>
    %jit3A_100 = arith.constant 2.048000e+03 : f32
    %broadcast_in_dim3A_101 = vector.broadcast %jit3A_100 : f32 to vector<512x2048xf32>
    %select_n3A_102 = arith.select %eq3A_99, %convert_element_type3A, %broadcast_in_dim3A_101 : vector<512x2048xi1>, vector<512x2048xf32>
    %reduce_min3A_103 = arith.constant dense<0x7F800000> : vector<512xf32>
    %reduce_min3A_104 = vector.multi_reduction <minimumf>, %select_n3A_102, %reduce_min3A_103 [1] : vector<512x2048xf32> to vector<512xf32>
    %convert_element_type3A_105 = arith.fptosi %reduce_min3A_104 : vector<512xf32> to vector<512xi32>
    %mul3A_106 = arith.constant 2048 : i32
    %mul3A_107 = arith.muli %arg0, %mul3A_106 : i32
    %add3A_108 = vector.broadcast %mul3A_107 : i32 to vector<512xi32>
    %add3A_109 = arith.addi %convert_element_type3A_105, %add3A_108 : vector<512xi32>
    %swap3A_110 = arith.constant 0 : index
    %swap3A_111 = arith.constant 3 : index
    %swap3A_112 = arith.constant 0 : index
    %swap3A_113 = vector.load %arg4[%swap3A_110, %swap3A_111, %swap3A_112] : memref<1x21x512xi32, #tpu.memory_space<vmem>>, vector<1x1x512xi32>
    %swap3A_114 = vector.shape_cast %swap3A_113 : vector<1x1x512xi32> to vector<512xi32>
    %swap3A_115 = vector.shape_cast %add3A_109 : vector<512xi32> to vector<1x1x512xi32>
    tpu.vector_store %arg4[%swap3A_110, %swap3A_111, %swap3A_112], %swap3A_115 {strides = array<i32>} : memref<1x21x512xi32, #tpu.memory_space<vmem>>, vector<1x1x512xi32>,
    %broadcast_in_dim3A_116 = vector.shape_cast %reduce_min3A_104 : vector<512xf32> to vector<512x1xf32>
    %eq3A_117 = vector.broadcast %broadcast_in_dim3A_116 : vector<512x1xf32> to vector<512x2048xf32>
    %eq3A_118 = arith.cmpf oeq, %convert_element_type3A, %eq3A_117 : vector<512x2048xf32>
    %jit3A_119 = arith.constant 0xFF800000 : f32
    %broadcast_in_dim3A_120 = vector.broadcast %jit3A_119 : f32 to vector<512x2048xf32>
    %select_n3A_121 = arith.select %eq3A_118, %broadcast_in_dim3A_120, %select_n3A_94 : vector<512x2048xi1>, vector<512x2048xf32>
    %reduce_max3A_122 = arith.constant dense<0xFF800000> : vector<512xf32>
    %reduce_max3A_123 = vector.multi_reduction <maximumf>, %select_n3A_121, %reduce_max3A_122 [1] : vector<512x2048xf32> to vector<512xf32>
    %broadcast_in_dim3A_124 = vector.shape_cast %reduce_max3A_123 : vector<512xf32> to vector<512x1xf32>
    %eq3A_125 = vector.broadcast %broadcast_in_dim3A_124 : vector<512x1xf32> to vector<512x2048xf32>
    %eq3A_126 = arith.cmpf oeq, %select_n3A_121, %eq3A_125 : vector<512x2048xf32>
    %jit3A_127 = arith.constant 2.048000e+03 : f32
    %broadcast_in_dim3A_128 = vector.broadcast %jit3A_127 : f32 to vector<512x2048xf32>
    %select_n3A_129 = arith.select %eq3A_126, %convert_element_type3A, %broadcast_in_dim3A_128 : vector<512x2048xi1>, vector<512x2048xf32>
    %reduce_min3A_130 = arith.constant dense<0x7F800000> : vector<512xf32>
    %reduce_min3A_131 = vector.multi_reduction <minimumf>, %select_n3A_129, %reduce_min3A_130 [1] : vector<512x2048xf32> to vector<512xf32>
    %convert_element_type3A_132 = arith.fptosi %reduce_min3A_131 : vector<512xf32> to vector<512xi32>
    %mul3A_133 = arith.constant 2048 : i32
    %mul3A_134 = arith.muli %arg0, %mul3A_133 : i32
    %add3A_135 = vector.broadcast %mul3A_134 : i32 to vector<512xi32>
    %add3A_136 = arith.addi %convert_element_type3A_132, %add3A_135 : vector<512xi32>
    %swap3A_137 = arith.constant 0 : index
    %swap3A_138 = arith.constant 4 : index
    %swap3A_139 = arith.constant 0 : index
    %swap3A_140 = vector.load %arg4[%swap3A_137, %swap3A_138, %swap3A_139] : memref<1x21x512xi32, #tpu.memory_space<vmem>>, vector<1x1x512xi32>
    %swap3A_141 = vector.shape_cast %swap3A_140 : vector<1x1x512xi32> to vector<512xi32>
    %swap3A_142 = vector.shape_cast %add3A_136 : vector<512xi32> to vector<1x1x512xi32>
    tpu.vector_store %arg4[%swap3A_137, %swap3A_138, %swap3A_139], %swap3A_142 {strides = array<i32>} : memref<1x21x512xi32, #tpu.memory_space<vmem>>, vector<1x1x512xi32>,
    %broadcast_in_dim3A_143 = vector.shape_cast %reduce_min3A_131 : vector<512xf32> to vector<512x1xf32>
    %eq3A_144 = vector.broadcast %broadcast_in_dim3A_143 : vector<512x1xf32> to vector<512x2048xf32>
    %eq3A_145 = arith.cmpf oeq, %convert_element_type3A, %eq3A_144 : vector<512x2048xf32>
    %jit3A_146 = arith.constant 0xFF800000 : f32
    %broadcast_in_dim3A_147 = vector.broadcast %jit3A_146 : f32 to vector<512x2048xf32>
    %select_n3A_148 = arith.select %eq3A_145, %broadcast_in_dim3A_147, %select_n3A_121 : vector<512x2048xi1>, vector<512x2048xf32>
    %reduce_max3A_149 = arith.constant dense<0xFF800000> : vector<512xf32>
    %reduce_max3A_150 = vector.multi_reduction <maximumf>, %select_n3A_148, %reduce_max3A_149 [1] : vector<512x2048xf32> to vector<512xf32>
    %broadcast_in_dim3A_151 = vector.shape_cast %reduce_max3A_150 : vector<512xf32> to vector<512x1xf32>
    %eq3A_152 = vector.broadcast %broadcast_in_dim3A_151 : vector<512x1xf32> to vector<512x2048xf32>
    %eq3A_153 = arith.cmpf oeq, %select_n3A_148, %eq3A_152 : vector<512x2048xf32>
    %jit3A_154 = arith.constant 2.048000e+03 : f32
    %broadcast_in_dim3A_155 = vector.broadcast %jit3A_154 : f32 to vector<512x2048xf32>
    %select_n3A_156 = arith.select %eq3A_153, %convert_element_type3A, %broadcast_in_dim3A_155 : vector<512x2048xi1>, vector<512x2048xf32>
    %reduce_min3A_157 = arith.constant dense<0x7F800000> : vector<512xf32>
    %reduce_min3A_158 = vector.multi_reduction <minimumf>, %select_n3A_156, %reduce_min3A_157 [1] : vector<512x2048xf32> to vector<512xf32>
    %convert_element_type3A_159 = arith.fptosi %reduce_min3A_158 : vector<512xf32> to vector<512xi32>
    %mul3A_160 = arith.constant 2048 : i32
    %mul3A_161 = arith.muli %arg0, %mul3A_160 : i32
    %add3A_162 = vector.broadcast %mul3A_161 : i32 to vector<512xi32>
    %add3A_163 = arith.addi %convert_element_type3A_159, %add3A_162 : vector<512xi32>
    %swap3A_164 = arith.constant 0 : index
    %swap3A_165 = arith.constant 5 : index
    %swap3A_166 = arith.constant 0 : index
    %swap3A_167 = vector.load %arg4[%swap3A_164, %swap3A_165, %swap3A_166] : memref<1x21x512xi32, #tpu.memory_space<vmem>>, vector<1x1x512xi32>
    %swap3A_168 = vector.shape_cast %swap3A_167 : vector<1x1x512xi32> to vector<512xi32>
    %swap3A_169 = vector.shape_cast %add3A_163 : vector<512xi32> to vector<1x1x512xi32>
    tpu.vector_store %arg4[%swap3A_164, %swap3A_165, %swap3A_166], %swap3A_169 {strides = array<i32>} : memref<1x21x512xi32, #tpu.memory_space<vmem>>, vector<1x1x512xi32>,
    %broadcast_in_dim3A_170 = vector.shape_cast %reduce_min3A_158 : vector<512xf32> to vector<512x1xf32>
    %eq3A_171 = vector.broadcast %broadcast_in_dim3A_170 : vector<512x1xf32> to vector<512x2048xf32>
    %eq3A_172 = arith.cmpf oeq, %convert_element_type3A, %eq3A_171 : vector<512x2048xf32>
    %jit3A_173 = arith.constant 0xFF800000 : f32
    %broadcast_in_dim3A_174 = vector.broadcast %jit3A_173 : f32 to vector<512x2048xf32>
    %select_n3A_175 = arith.select %eq3A_172, %broadcast_in_dim3A_174, %select_n3A_148 : vector<512x2048xi1>, vector<512x2048xf32>
    %reduce_max3A_176 = arith.constant dense<0xFF800000> : vector<512xf32>
    %reduce_max3A_177 = vector.multi_reduction <maximumf>, %select_n3A_175, %reduce_max3A_176 [1] : vector<512x2048xf32> to vector<512xf32>
    %broadcast_in_dim3A_178 = vector.shape_cast %reduce_max3A_177 : vector<512xf32> to vector<512x1xf32>
    %eq3A_179 = vector.broadcast %broadcast_in_dim3A_178 : vector<512x1xf32> to vector<512x2048xf32>
    %eq3A_180 = arith.cmpf oeq, %select_n3A_175, %eq3A_179 : vector<512x2048xf32>
    %jit3A_181 = arith.constant 2.048000e+03 : f32
    %broadcast_in_dim3A_182 = vector.broadcast %jit3A_181 : f32 to vector<512x2048xf32>
    %select_n3A_183 = arith.select %eq3A_180, %convert_element_type3A, %broadcast_in_dim3A_182 : vector<512x2048xi1>, vector<512x2048xf32>
    %reduce_min3A_184 = arith.constant dense<0x7F800000> : vector<512xf32>
    %reduce_min3A_185 = vector.multi_reduction <minimumf>, %select_n3A_183, %reduce_min3A_184 [1] : vector<512x2048xf32> to vector<512xf32>
    %convert_element_type3A_186 = arith.fptosi %reduce_min3A_185 : vector<512xf32> to vector<512xi32>
    %mul3A_187 = arith.constant 2048 : i32
    %mul3A_188 = arith.muli %arg0, %mul3A_187 : i32
    %add3A_189 = vector.broadcast %mul3A_188 : i32 to vector<512xi32>
    %add3A_190 = arith.addi %convert_element_type3A_186, %add3A_189 : vector<512xi32>
    %swap3A_191 = arith.constant 0 : index
    %swap3A_192 = arith.constant 6 : index
    %swap3A_193 = arith.constant 0 : index
    %swap3A_194 = vector.load %arg4[%swap3A_191, %swap3A_192, %swap3A_193] : memref<1x21x512xi32, #tpu.memory_space<vmem>>, vector<1x1x512xi32>
    %swap3A_195 = vector.shape_cast %swap3A_194 : vector<1x1x512xi32> to vector<512xi32>
    %swap3A_196 = vector.shape_cast %add3A_190 : vector<512xi32> to vector<1x1x512xi32>
    tpu.vector_store %arg4[%swap3A_191, %swap3A_192, %swap3A_193], %swap3A_196 {strides = array<i32>} : memref<1x21x512xi32, #tpu.memory_space<vmem>>, vector<1x1x512xi32>,
    %broadcast_in_dim3A_197 = vector.shape_cast %reduce_min3A_185 : vector<512xf32> to vector<512x1xf32>
    %eq3A_198 = vector.broadcast %broadcast_in_dim3A_197 : vector<512x1xf32> to vector<512x2048xf32>
    %eq3A_199 = arith.cmpf oeq, %convert_element_type3A, %eq3A_198 : vector<512x2048xf32>
    %jit3A_200 = arith.constant 0xFF800000 : f32
    %broadcast_in_dim3A_201 = vector.broadcast %jit3A_200 : f32 to vector<512x2048xf32>
    %select_n3A_202 = arith.select %eq3A_199, %broadcast_in_dim3A_201, %select_n3A_175 : vector<512x2048xi1>, vector<512x2048xf32>
    %reduce_max3A_203 = arith.constant dense<0xFF800000> : vector<512xf32>
    %reduce_max3A_204 = vector.multi_reduction <maximumf>, %select_n3A_202, %reduce_max3A_203 [1] : vector<512x2048xf32> to vector<512xf32>
    %broadcast_in_dim3A_205 = vector.shape_cast %reduce_max3A_204 : vector<512xf32> to vector<512x1xf32>
    %eq3A_206 = vector.broadcast %broadcast_in_dim3A_205 : vector<512x1xf32> to vector<512x2048xf32>
    %eq3A_207 = arith.cmpf oeq, %select_n3A_202, %eq3A_206 : vector<512x2048xf32>
    %jit3A_208 = arith.constant 2.048000e+03 : f32
    %broadcast_in_dim3A_209 = vector.broadcast %jit3A_208 : f32 to vector<512x2048xf32>
    %select_n3A_210 = arith.select %eq3A_207, %convert_element_type3A, %broadcast_in_dim3A_209 : vector<512x2048xi1>, vector<512x2048xf32>
    %reduce_min3A_211 = arith.constant dense<0x7F800000> : vector<512xf32>
    %reduce_min3A_212 = vector.multi_reduction <minimumf>, %select_n3A_210, %reduce_min3A_211 [1] : vector<512x2048xf32> to vector<512xf32>
    %convert_element_type3A_213 = arith.fptosi %reduce_min3A_212 : vector<512xf32> to vector<512xi32>
    %mul3A_214 = arith.constant 2048 : i32
    %mul3A_215 = arith.muli %arg0, %mul3A_214 : i32
    %add3A_216 = vector.broadcast %mul3A_215 : i32 to vector<512xi32>
    %add3A_217 = arith.addi %convert_element_type3A_213, %add3A_216 : vector<512xi32>
    %swap3A_218 = arith.constant 0 : index
    %swap3A_219 = arith.constant 7 : index
    %swap3A_220 = arith.constant 0 : index
    %swap3A_221 = vector.load %arg4[%swap3A_218, %swap3A_219, %swap3A_220] : memref<1x21x512xi32, #tpu.memory_space<vmem>>, vector<1x1x512xi32>
    %swap3A_222 = vector.shape_cast %swap3A_221 : vector<1x1x512xi32> to vector<512xi32>
    %swap3A_223 = vector.shape_cast %add3A_217 : vector<512xi32> to vector<1x1x512xi32>
    tpu.vector_store %arg4[%swap3A_218, %swap3A_219, %swap3A_220], %swap3A_223 {strides = array<i32>} : memref<1x21x512xi32, #tpu.memory_space<vmem>>, vector<1x1x512xi32>,
    %broadcast_in_dim3A_224 = vector.shape_cast %reduce_min3A_212 : vector<512xf32> to vector<512x1xf32>
    %eq3A_225 = vector.broadcast %broadcast_in_dim3A_224 : vector<512x1xf32> to vector<512x2048xf32>
    %eq3A_226 = arith.cmpf oeq, %convert_element_type3A, %eq3A_225 : vector<512x2048xf32>
    %jit3A_227 = arith.constant 0xFF800000 : f32
    %broadcast_in_dim3A_228 = vector.broadcast %jit3A_227 : f32 to vector<512x2048xf32>
    %select_n3A_229 = arith.select %eq3A_226, %broadcast_in_dim3A_228, %select_n3A_202 : vector<512x2048xi1>, vector<512x2048xf32>
    %reduce_max3A_230 = arith.constant dense<0xFF800000> : vector<512xf32>
    %reduce_max3A_231 = vector.multi_reduction <maximumf>, %select_n3A_229, %reduce_max3A_230 [1] : vector<512x2048xf32> to vector<512xf32>
    %broadcast_in_dim3A_232 = vector.shape_cast %reduce_max3A_231 : vector<512xf32> to vector<512x1xf32>
    %eq3A_233 = vector.broadcast %broadcast_in_dim3A_232 : vector<512x1xf32> to vector<512x2048xf32>
    %eq3A_234 = arith.cmpf oeq, %select_n3A_229, %eq3A_233 : vector<512x2048xf32>
    %jit3A_235 = arith.constant 2.048000e+03 : f32
    %broadcast_in_dim3A_236 = vector.broadcast %jit3A_235 : f32 to vector<512x2048xf32>
    %select_n3A_237 = arith.select %eq3A_234, %convert_element_type3A, %broadcast_in_dim3A_236 : vector<512x2048xi1>, vector<512x2048xf32>
    %reduce_min3A_238 = arith.constant dense<0x7F800000> : vector<512xf32>
    %reduce_min3A_239 = vector.multi_reduction <minimumf>, %select_n3A_237, %reduce_min3A_238 [1] : vector<512x2048xf32> to vector<512xf32>
    %convert_element_type3A_240 = arith.fptosi %reduce_min3A_239 : vector<512xf32> to vector<512xi32>
    %mul3A_241 = arith.constant 2048 : i32
    %mul3A_242 = arith.muli %arg0, %mul3A_241 : i32
    %add3A_243 = vector.broadcast %mul3A_242 : i32 to vector<512xi32>
    %add3A_244 = arith.addi %convert_element_type3A_240, %add3A_243 : vector<512xi32>
    %swap3A_245 = arith.constant 0 : index
    %swap3A_246 = arith.constant 8 : index
    %swap3A_247 = arith.constant 0 : index
    %swap3A_248 = vector.load %arg4[%swap3A_245, %swap3A_246, %swap3A_247] : memref<1x21x512xi32, #tpu.memory_space<vmem>>, vector<1x1x512xi32>
    %swap3A_249 = vector.shape_cast %swap3A_248 : vector<1x1x512xi32> to vector<512xi32>
    %swap3A_250 = vector.shape_cast %add3A_244 : vector<512xi32> to vector<1x1x512xi32>
    tpu.vector_store %arg4[%swap3A_245, %swap3A_246, %swap3A_247], %swap3A_250 {strides = array<i32>} : memref<1x21x512xi32, #tpu.memory_space<vmem>>, vector<1x1x512xi32>,
    %broadcast_in_dim3A_251 = vector.shape_cast %reduce_min3A_239 : vector<512xf32> to vector<512x1xf32>
    %eq3A_252 = vector.broadcast %broadcast_in_dim3A_251 : vector<512x1xf32> to vector<512x2048xf32>
    %eq3A_253 = arith.cmpf oeq, %convert_element_type3A, %eq3A_252 : vector<512x2048xf32>
    %jit3A_254 = arith.constant 0xFF800000 : f32
    %broadcast_in_dim3A_255 = vector.broadcast %jit3A_254 : f32 to vector<512x2048xf32>
    %select_n3A_256 = arith.select %eq3A_253, %broadcast_in_dim3A_255, %select_n3A_229 : vector<512x2048xi1>, vector<512x2048xf32>
    %reduce_max3A_257 = arith.constant dense<0xFF800000> : vector<512xf32>
    %reduce_max3A_258 = vector.multi_reduction <maximumf>, %select_n3A_256, %reduce_max3A_257 [1] : vector<512x2048xf32> to vector<512xf32>
    %broadcast_in_dim3A_259 = vector.shape_cast %reduce_max3A_258 : vector<512xf32> to vector<512x1xf32>
    %eq3A_260 = vector.broadcast %broadcast_in_dim3A_259 : vector<512x1xf32> to vector<512x2048xf32>
    %eq3A_261 = arith.cmpf oeq, %select_n3A_256, %eq3A_260 : vector<512x2048xf32>
    %jit3A_262 = arith.constant 2.048000e+03 : f32
    %broadcast_in_dim3A_263 = vector.broadcast %jit3A_262 : f32 to vector<512x2048xf32>
    %select_n3A_264 = arith.select %eq3A_261, %convert_element_type3A, %broadcast_in_dim3A_263 : vector<512x2048xi1>, vector<512x2048xf32>
    %reduce_min3A_265 = arith.constant dense<0x7F800000> : vector<512xf32>
    %reduce_min3A_266 = vector.multi_reduction <minimumf>, %select_n3A_264, %reduce_min3A_265 [1] : vector<512x2048xf32> to vector<512xf32>
    %convert_element_type3A_267 = arith.fptosi %reduce_min3A_266 : vector<512xf32> to vector<512xi32>
    %mul3A_268 = arith.constant 2048 : i32
    %mul3A_269 = arith.muli %arg0, %mul3A_268 : i32
    %add3A_270 = vector.broadcast %mul3A_269 : i32 to vector<512xi32>
    %add3A_271 = arith.addi %convert_element_type3A_267, %add3A_270 : vector<512xi32>
    %swap3A_272 = arith.constant 0 : index
    %swap3A_273 = arith.constant 9 : index
    %swap3A_274 = arith.constant 0 : index
    %swap3A_275 = vector.load %arg4[%swap3A_272, %swap3A_273, %swap3A_274] : memref<1x21x512xi32, #tpu.memory_space<vmem>>, vector<1x1x512xi32>
    %swap3A_276 = vector.shape_cast %swap3A_275 : vector<1x1x512xi32> to vector<512xi32>
    %swap3A_277 = vector.shape_cast %add3A_271 : vector<512xi32> to vector<1x1x512xi32>
    tpu.vector_store %arg4[%swap3A_272, %swap3A_273, %swap3A_274], %swap3A_277 {strides = array<i32>} : memref<1x21x512xi32, #tpu.memory_space<vmem>>, vector<1x1x512xi32>,
    %broadcast_in_dim3A_278 = vector.shape_cast %reduce_min3A_266 : vector<512xf32> to vector<512x1xf32>
    %eq3A_279 = vector.broadcast %broadcast_in_dim3A_278 : vector<512x1xf32> to vector<512x2048xf32>
    %eq3A_280 = arith.cmpf oeq, %convert_element_type3A, %eq3A_279 : vector<512x2048xf32>
    %jit3A_281 = arith.constant 0xFF800000 : f32
    %broadcast_in_dim3A_282 = vector.broadcast %jit3A_281 : f32 to vector<512x2048xf32>
    %select_n3A_283 = arith.select %eq3A_280, %broadcast_in_dim3A_282, %select_n3A_256 : vector<512x2048xi1>, vector<512x2048xf32>
    %reduce_max3A_284 = arith.constant dense<0xFF800000> : vector<512xf32>
    %reduce_max3A_285 = vector.multi_reduction <maximumf>, %select_n3A_283, %reduce_max3A_284 [1] : vector<512x2048xf32> to vector<512xf32>
    %broadcast_in_dim3A_286 = vector.shape_cast %reduce_max3A_285 : vector<512xf32> to vector<512x1xf32>
    %eq3A_287 = vector.broadcast %broadcast_in_dim3A_286 : vector<512x1xf32> to vector<512x2048xf32>
    %eq3A_288 = arith.cmpf oeq, %select_n3A_283, %eq3A_287 : vector<512x2048xf32>
    %jit3A_289 = arith.constant 2.048000e+03 : f32
    %broadcast_in_dim3A_290 = vector.broadcast %jit3A_289 : f32 to vector<512x2048xf32>
    %select_n3A_291 = arith.select %eq3A_288, %convert_element_type3A, %broadcast_in_dim3A_290 : vector<512x2048xi1>, vector<512x2048xf32>
    %reduce_min3A_292 = arith.constant dense<0x7F800000> : vector<512xf32>
    %reduce_min3A_293 = vector.multi_reduction <minimumf>, %select_n3A_291, %reduce_min3A_292 [1] : vector<512x2048xf32> to vector<512xf32>
    %convert_element_type3A_294 = arith.fptosi %reduce_min3A_293 : vector<512xf32> to vector<512xi32>
    %mul3A_295 = arith.constant 2048 : i32
    %mul3A_296 = arith.muli %arg0, %mul3A_295 : i32
    %add3A_297 = vector.broadcast %mul3A_296 : i32 to vector<512xi32>
    %add3A_298 = arith.addi %convert_element_type3A_294, %add3A_297 : vector<512xi32>
    %swap3A_299 = arith.constant 0 : index
    %swap3A_300 = arith.constant 10 : index
    %swap3A_301 = arith.constant 0 : index
    %swap3A_302 = vector.load %arg4[%swap3A_299, %swap3A_300, %swap3A_301] : memref<1x21x512xi32, #tpu.memory_space<vmem>>, vector<1x1x512xi32>
    %swap3A_303 = vector.shape_cast %swap3A_302 : vector<1x1x512xi32> to vector<512xi32>
    %swap3A_304 = vector.shape_cast %add3A_298 : vector<512xi32> to vector<1x1x512xi32>
    tpu.vector_store %arg4[%swap3A_299, %swap3A_300, %swap3A_301], %swap3A_304 {strides = array<i32>} : memref<1x21x512xi32, #tpu.memory_space<vmem>>, vector<1x1x512xi32>,
    %broadcast_in_dim3A_305 = vector.shape_cast %reduce_min3A_293 : vector<512xf32> to vector<512x1xf32>
    %eq3A_306 = vector.broadcast %broadcast_in_dim3A_305 : vector<512x1xf32> to vector<512x2048xf32>
    %eq3A_307 = arith.cmpf oeq, %convert_element_type3A, %eq3A_306 : vector<512x2048xf32>
    %jit3A_308 = arith.constant 0xFF800000 : f32
    %broadcast_in_dim3A_309 = vector.broadcast %jit3A_308 : f32 to vector<512x2048xf32>
    %select_n3A_310 = arith.select %eq3A_307, %broadcast_in_dim3A_309, %select_n3A_283 : vector<512x2048xi1>, vector<512x2048xf32>
    %reduce_max3A_311 = arith.constant dense<0xFF800000> : vector<512xf32>
    %reduce_max3A_312 = vector.multi_reduction <maximumf>, %select_n3A_310, %reduce_max3A_311 [1] : vector<512x2048xf32> to vector<512xf32>
    %broadcast_in_dim3A_313 = vector.shape_cast %reduce_max3A_312 : vector<512xf32> to vector<512x1xf32>
    %eq3A_314 = vector.broadcast %broadcast_in_dim3A_313 : vector<512x1xf32> to vector<512x2048xf32>
    %eq3A_315 = arith.cmpf oeq, %select_n3A_310, %eq3A_314 : vector<512x2048xf32>
    %jit3A_316 = arith.constant 2.048000e+03 : f32
    %broadcast_in_dim3A_317 = vector.broadcast %jit3A_316 : f32 to vector<512x2048xf32>
    %select_n3A_318 = arith.select %eq3A_315, %convert_element_type3A, %broadcast_in_dim3A_317 : vector<512x2048xi1>, vector<512x2048xf32>
    %reduce_min3A_319 = arith.constant dense<0x7F800000> : vector<512xf32>
    %reduce_min3A_320 = vector.multi_reduction <minimumf>, %select_n3A_318, %reduce_min3A_319 [1] : vector<512x2048xf32> to vector<512xf32>
    %convert_element_type3A_321 = arith.fptosi %reduce_min3A_320 : vector<512xf32> to vector<512xi32>
    %mul3A_322 = arith.constant 2048 : i32
    %mul3A_323 = arith.muli %arg0, %mul3A_322 : i32
    %add3A_324 = vector.broadcast %mul3A_323 : i32 to vector<512xi32>
    %add3A_325 = arith.addi %convert_element_type3A_321, %add3A_324 : vector<512xi32>
    %swap3A_326 = arith.constant 0 : index
    %swap3A_327 = arith.constant 11 : index
    %swap3A_328 = arith.constant 0 : index
    %swap3A_329 = vector.load %arg4[%swap3A_326, %swap3A_327, %swap3A_328] : memref<1x21x512xi32, #tpu.memory_space<vmem>>, vector<1x1x512xi32>
    %swap3A_330 = vector.shape_cast %swap3A_329 : vector<1x1x512xi32> to vector<512xi32>
    %swap3A_331 = vector.shape_cast %add3A_325 : vector<512xi32> to vector<1x1x512xi32>
    tpu.vector_store %arg4[%swap3A_326, %swap3A_327, %swap3A_328], %swap3A_331 {strides = array<i32>} : memref<1x21x512xi32, #tpu.memory_space<vmem>>, vector<1x1x512xi32>,
    %broadcast_in_dim3A_332 = vector.shape_cast %reduce_min3A_320 : vector<512xf32> to vector<512x1xf32>
    %eq3A_333 = vector.broadcast %broadcast_in_dim3A_332 : vector<512x1xf32> to vector<512x2048xf32>
    %eq3A_334 = arith.cmpf oeq, %convert_element_type3A, %eq3A_333 : vector<512x2048xf32>
    %jit3A_335 = arith.constant 0xFF800000 : f32
    %broadcast_in_dim3A_336 = vector.broadcast %jit3A_335 : f32 to vector<512x2048xf32>
    %select_n3A_337 = arith.select %eq3A_334, %broadcast_in_dim3A_336, %select_n3A_310 : vector<512x2048xi1>, vector<512x2048xf32>
    %reduce_max3A_338 = arith.constant dense<0xFF800000> : vector<512xf32>
    %reduce_max3A_339 = vector.multi_reduction <maximumf>, %select_n3A_337, %reduce_max3A_338 [1] : vector<512x2048xf32> to vector<512xf32>
    %broadcast_in_dim3A_340 = vector.shape_cast %reduce_max3A_339 : vector<512xf32> to vector<512x1xf32>
    %eq3A_341 = vector.broadcast %broadcast_in_dim3A_340 : vector<512x1xf32> to vector<512x2048xf32>
    %eq3A_342 = arith.cmpf oeq, %select_n3A_337, %eq3A_341 : vector<512x2048xf32>
    %jit3A_343 = arith.constant 2.048000e+03 : f32
    %broadcast_in_dim3A_344 = vector.broadcast %jit3A_343 : f32 to vector<512x2048xf32>
    %select_n3A_345 = arith.select %eq3A_342, %convert_element_type3A, %broadcast_in_dim3A_344 : vector<512x2048xi1>, vector<512x2048xf32>
    %reduce_min3A_346 = arith.constant dense<0x7F800000> : vector<512xf32>
    %reduce_min3A_347 = vector.multi_reduction <minimumf>, %select_n3A_345, %reduce_min3A_346 [1] : vector<512x2048xf32> to vector<512xf32>
    %convert_element_type3A_348 = arith.fptosi %reduce_min3A_347 : vector<512xf32> to vector<512xi32>
    %mul3A_349 = arith.constant 2048 : i32
    %mul3A_350 = arith.muli %arg0, %mul3A_349 : i32
    %add3A_351 = vector.broadcast %mul3A_350 : i32 to vector<512xi32>
    %add3A_352 = arith.addi %convert_element_type3A_348, %add3A_351 : vector<512xi32>
    %swap3A_353 = arith.constant 0 : index
    %swap3A_354 = arith.constant 12 : index
    %swap3A_355 = arith.constant 0 : index
    %swap3A_356 = vector.load %arg4[%swap3A_353, %swap3A_354, %swap3A_355] : memref<1x21x512xi32, #tpu.memory_space<vmem>>, vector<1x1x512xi32>
    %swap3A_357 = vector.shape_cast %swap3A_356 : vector<1x1x512xi32> to vector<512xi32>
    %swap3A_358 = vector.shape_cast %add3A_352 : vector<512xi32> to vector<1x1x512xi32>
    tpu.vector_store %arg4[%swap3A_353, %swap3A_354, %swap3A_355], %swap3A_358 {strides = array<i32>} : memref<1x21x512xi32, #tpu.memory_space<vmem>>, vector<1x1x512xi32>,
    %broadcast_in_dim3A_359 = vector.shape_cast %reduce_min3A_347 : vector<512xf32> to vector<512x1xf32>
    %eq3A_360 = vector.broadcast %broadcast_in_dim3A_359 : vector<512x1xf32> to vector<512x2048xf32>
    %eq3A_361 = arith.cmpf oeq, %convert_element_type3A, %eq3A_360 : vector<512x2048xf32>
    %jit3A_362 = arith.constant 0xFF800000 : f32
    %broadcast_in_dim3A_363 = vector.broadcast %jit3A_362 : f32 to vector<512x2048xf32>
    %select_n3A_364 = arith.select %eq3A_361, %broadcast_in_dim3A_363, %select_n3A_337 : vector<512x2048xi1>, vector<512x2048xf32>
    %reduce_max3A_365 = arith.constant dense<0xFF800000> : vector<512xf32>
    %reduce_max3A_366 = vector.multi_reduction <maximumf>, %select_n3A_364, %reduce_max3A_365 [1] : vector<512x2048xf32> to vector<512xf32>
    %broadcast_in_dim3A_367 = vector.shape_cast %reduce_max3A_366 : vector<512xf32> to vector<512x1xf32>
    %eq3A_368 = vector.broadcast %broadcast_in_dim3A_367 : vector<512x1xf32> to vector<512x2048xf32>
    %eq3A_369 = arith.cmpf oeq, %select_n3A_364, %eq3A_368 : vector<512x2048xf32>
    %jit3A_370 = arith.constant 2.048000e+03 : f32
    %broadcast_in_dim3A_371 = vector.broadcast %jit3A_370 : f32 to vector<512x2048xf32>
    %select_n3A_372 = arith.select %eq3A_369, %convert_element_type3A, %broadcast_in_dim3A_371 : vector<512x2048xi1>, vector<512x2048xf32>
    %reduce_min3A_373 = arith.constant dense<0x7F800000> : vector<512xf32>
    %reduce_min3A_374 = vector.multi_reduction <minimumf>, %select_n3A_372, %reduce_min3A_373 [1] : vector<512x2048xf32> to vector<512xf32>
    %convert_element_type3A_375 = arith.fptosi %reduce_min3A_374 : vector<512xf32> to vector<512xi32>
    %mul3A_376 = arith.constant 2048 : i32
    %mul3A_377 = arith.muli %arg0, %mul3A_376 : i32
    %add3A_378 = vector.broadcast %mul3A_377 : i32 to vector<512xi32>
    %add3A_379 = arith.addi %convert_element_type3A_375, %add3A_378 : vector<512xi32>
    %swap3A_380 = arith.constant 0 : index
    %swap3A_381 = arith.constant 13 : index
    %swap3A_382 = arith.constant 0 : index
    %swap3A_383 = vector.load %arg4[%swap3A_380, %swap3A_381, %swap3A_382] : memref<1x21x512xi32, #tpu.memory_space<vmem>>, vector<1x1x512xi32>
    %swap3A_384 = vector.shape_cast %swap3A_383 : vector<1x1x512xi32> to vector<512xi32>
    %swap3A_385 = vector.shape_cast %add3A_379 : vector<512xi32> to vector<1x1x512xi32>
    tpu.vector_store %arg4[%swap3A_380, %swap3A_381, %swap3A_382], %swap3A_385 {strides = array<i32>} : memref<1x21x512xi32, #tpu.memory_space<vmem>>, vector<1x1x512xi32>,
    %broadcast_in_dim3A_386 = vector.shape_cast %reduce_min3A_374 : vector<512xf32> to vector<512x1xf32>
    %eq3A_387 = vector.broadcast %broadcast_in_dim3A_386 : vector<512x1xf32> to vector<512x2048xf32>
    %eq3A_388 = arith.cmpf oeq, %convert_element_type3A, %eq3A_387 : vector<512x2048xf32>
    %jit3A_389 = arith.constant 0xFF800000 : f32
    %broadcast_in_dim3A_390 = vector.broadcast %jit3A_389 : f32 to vector<512x2048xf32>
    %select_n3A_391 = arith.select %eq3A_388, %broadcast_in_dim3A_390, %select_n3A_364 : vector<512x2048xi1>, vector<512x2048xf32>
    %reduce_max3A_392 = arith.constant dense<0xFF800000> : vector<512xf32>
    %reduce_max3A_393 = vector.multi_reduction <maximumf>, %select_n3A_391, %reduce_max3A_392 [1] : vector<512x2048xf32> to vector<512xf32>
    %broadcast_in_dim3A_394 = vector.shape_cast %reduce_max3A_393 : vector<512xf32> to vector<512x1xf32>
    %eq3A_395 = vector.broadcast %broadcast_in_dim3A_394 : vector<512x1xf32> to vector<512x2048xf32>
    %eq3A_396 = arith.cmpf oeq, %select_n3A_391, %eq3A_395 : vector<512x2048xf32>
    %jit3A_397 = arith.constant 2.048000e+03 : f32
    %broadcast_in_dim3A_398 = vector.broadcast %jit3A_397 : f32 to vector<512x2048xf32>
    %select_n3A_399 = arith.select %eq3A_396, %convert_element_type3A, %broadcast_in_dim3A_398 : vector<512x2048xi1>, vector<512x2048xf32>
    %reduce_min3A_400 = arith.constant dense<0x7F800000> : vector<512xf32>
    %reduce_min3A_401 = vector.multi_reduction <minimumf>, %select_n3A_399, %reduce_min3A_400 [1] : vector<512x2048xf32> to vector<512xf32>
    %convert_element_type3A_402 = arith.fptosi %reduce_min3A_401 : vector<512xf32> to vector<512xi32>
    %mul3A_403 = arith.constant 2048 : i32
    %mul3A_404 = arith.muli %arg0, %mul3A_403 : i32
    %add3A_405 = vector.broadcast %mul3A_404 : i32 to vector<512xi32>
    %add3A_406 = arith.addi %convert_element_type3A_402, %add3A_405 : vector<512xi32>
    %swap3A_407 = arith.constant 0 : index
    %swap3A_408 = arith.constant 14 : index
    %swap3A_409 = arith.constant 0 : index
    %swap3A_410 = vector.load %arg4[%swap3A_407, %swap3A_408, %swap3A_409] : memref<1x21x512xi32, #tpu.memory_space<vmem>>, vector<1x1x512xi32>
    %swap3A_411 = vector.shape_cast %swap3A_410 : vector<1x1x512xi32> to vector<512xi32>
    %swap3A_412 = vector.shape_cast %add3A_406 : vector<512xi32> to vector<1x1x512xi32>
    tpu.vector_store %arg4[%swap3A_407, %swap3A_408, %swap3A_409], %swap3A_412 {strides = array<i32>} : memref<1x21x512xi32, #tpu.memory_space<vmem>>, vector<1x1x512xi32>,
    %broadcast_in_dim3A_413 = vector.shape_cast %reduce_min3A_401 : vector<512xf32> to vector<512x1xf32>
    %eq3A_414 = vector.broadcast %broadcast_in_dim3A_413 : vector<512x1xf32> to vector<512x2048xf32>
    %eq3A_415 = arith.cmpf oeq, %convert_element_type3A, %eq3A_414 : vector<512x2048xf32>
    %jit3A_416 = arith.constant 0xFF800000 : f32
    %broadcast_in_dim3A_417 = vector.broadcast %jit3A_416 : f32 to vector<512x2048xf32>
    %select_n3A_418 = arith.select %eq3A_415, %broadcast_in_dim3A_417, %select_n3A_391 : vector<512x2048xi1>, vector<512x2048xf32>
    %reduce_max3A_419 = arith.constant dense<0xFF800000> : vector<512xf32>
    %reduce_max3A_420 = vector.multi_reduction <maximumf>, %select_n3A_418, %reduce_max3A_419 [1] : vector<512x2048xf32> to vector<512xf32>
    %broadcast_in_dim3A_421 = vector.shape_cast %reduce_max3A_420 : vector<512xf32> to vector<512x1xf32>
    %eq3A_422 = vector.broadcast %broadcast_in_dim3A_421 : vector<512x1xf32> to vector<512x2048xf32>
    %eq3A_423 = arith.cmpf oeq, %select_n3A_418, %eq3A_422 : vector<512x2048xf32>
    %jit3A_424 = arith.constant 2.048000e+03 : f32
    %broadcast_in_dim3A_425 = vector.broadcast %jit3A_424 : f32 to vector<512x2048xf32>
    %select_n3A_426 = arith.select %eq3A_423, %convert_element_type3A, %broadcast_in_dim3A_425 : vector<512x2048xi1>, vector<512x2048xf32>
    %reduce_min3A_427 = arith.constant dense<0x7F800000> : vector<512xf32>
    %reduce_min3A_428 = vector.multi_reduction <minimumf>, %select_n3A_426, %reduce_min3A_427 [1] : vector<512x2048xf32> to vector<512xf32>
    %convert_element_type3A_429 = arith.fptosi %reduce_min3A_428 : vector<512xf32> to vector<512xi32>
    %mul3A_430 = arith.constant 2048 : i32
    %mul3A_431 = arith.muli %arg0, %mul3A_430 : i32
    %add3A_432 = vector.broadcast %mul3A_431 : i32 to vector<512xi32>
    %add3A_433 = arith.addi %convert_element_type3A_429, %add3A_432 : vector<512xi32>
    %swap3A_434 = arith.constant 0 : index
    %swap3A_435 = arith.constant 15 : index
    %swap3A_436 = arith.constant 0 : index
    %swap3A_437 = vector.load %arg4[%swap3A_434, %swap3A_435, %swap3A_436] : memref<1x21x512xi32, #tpu.memory_space<vmem>>, vector<1x1x512xi32>
    %swap3A_438 = vector.shape_cast %swap3A_437 : vector<1x1x512xi32> to vector<512xi32>
    %swap3A_439 = vector.shape_cast %add3A_433 : vector<512xi32> to vector<1x1x512xi32>
    tpu.vector_store %arg4[%swap3A_434, %swap3A_435, %swap3A_436], %swap3A_439 {strides = array<i32>} : memref<1x21x512xi32, #tpu.memory_space<vmem>>, vector<1x1x512xi32>,
    %broadcast_in_dim3A_440 = vector.shape_cast %reduce_min3A_428 : vector<512xf32> to vector<512x1xf32>
    %eq3A_441 = vector.broadcast %broadcast_in_dim3A_440 : vector<512x1xf32> to vector<512x2048xf32>
    %eq3A_442 = arith.cmpf oeq, %convert_element_type3A, %eq3A_441 : vector<512x2048xf32>
    %jit3A_443 = arith.constant 0xFF800000 : f32
    %broadcast_in_dim3A_444 = vector.broadcast %jit3A_443 : f32 to vector<512x2048xf32>
    %select_n3A_445 = arith.select %eq3A_442, %broadcast_in_dim3A_444, %select_n3A_418 : vector<512x2048xi1>, vector<512x2048xf32>
    %reduce_max3A_446 = arith.constant dense<0xFF800000> : vector<512xf32>
    %reduce_max3A_447 = vector.multi_reduction <maximumf>, %select_n3A_445, %reduce_max3A_446 [1] : vector<512x2048xf32> to vector<512xf32>
    %broadcast_in_dim3A_448 = vector.shape_cast %reduce_max3A_447 : vector<512xf32> to vector<512x1xf32>
    %eq3A_449 = vector.broadcast %broadcast_in_dim3A_448 : vector<512x1xf32> to vector<512x2048xf32>
    %eq3A_450 = arith.cmpf oeq, %select_n3A_445, %eq3A_449 : vector<512x2048xf32>
    %jit3A_451 = arith.constant 2.048000e+03 : f32
    %broadcast_in_dim3A_452 = vector.broadcast %jit3A_451 : f32 to vector<512x2048xf32>
    %select_n3A_453 = arith.select %eq3A_450, %convert_element_type3A, %broadcast_in_dim3A_452 : vector<512x2048xi1>, vector<512x2048xf32>
    %reduce_min3A_454 = arith.constant dense<0x7F800000> : vector<512xf32>
    %reduce_min3A_455 = vector.multi_reduction <minimumf>, %select_n3A_453, %reduce_min3A_454 [1] : vector<512x2048xf32> to vector<512xf32>
    %convert_element_type3A_456 = arith.fptosi %reduce_min3A_455 : vector<512xf32> to vector<512xi32>
    %mul3A_457 = arith.constant 2048 : i32
    %mul3A_458 = arith.muli %arg0, %mul3A_457 : i32
    %add3A_459 = vector.broadcast %mul3A_458 : i32 to vector<512xi32>
    %add3A_460 = arith.addi %convert_element_type3A_456, %add3A_459 : vector<512xi32>
    %swap3A_461 = arith.constant 0 : index
    %swap3A_462 = arith.constant 16 : index
    %swap3A_463 = arith.constant 0 : index
    %swap3A_464 = vector.load %arg4[%swap3A_461, %swap3A_462, %swap3A_463] : memref<1x21x512xi32, #tpu.memory_space<vmem>>, vector<1x1x512xi32>
    %swap3A_465 = vector.shape_cast %swap3A_464 : vector<1x1x512xi32> to vector<512xi32>
    %swap3A_466 = vector.shape_cast %add3A_460 : vector<512xi32> to vector<1x1x512xi32>
    tpu.vector_store %arg4[%swap3A_461, %swap3A_462, %swap3A_463], %swap3A_466 {strides = array<i32>} : memref<1x21x512xi32, #tpu.memory_space<vmem>>, vector<1x1x512xi32>,
    %broadcast_in_dim3A_467 = vector.shape_cast %reduce_min3A_455 : vector<512xf32> to vector<512x1xf32>
    %eq3A_468 = vector.broadcast %broadcast_in_dim3A_467 : vector<512x1xf32> to vector<512x2048xf32>
    %eq3A_469 = arith.cmpf oeq, %convert_element_type3A, %eq3A_468 : vector<512x2048xf32>
    %jit3A_470 = arith.constant 0xFF800000 : f32
    %broadcast_in_dim3A_471 = vector.broadcast %jit3A_470 : f32 to vector<512x2048xf32>
    %select_n3A_472 = arith.select %eq3A_469, %broadcast_in_dim3A_471, %select_n3A_445 : vector<512x2048xi1>, vector<512x2048xf32>
    %reduce_max3A_473 = arith.constant dense<0xFF800000> : vector<512xf32>
    %reduce_max3A_474 = vector.multi_reduction <maximumf>, %select_n3A_472, %reduce_max3A_473 [1] : vector<512x2048xf32> to vector<512xf32>
    %broadcast_in_dim3A_475 = vector.shape_cast %reduce_max3A_474 : vector<512xf32> to vector<512x1xf32>
    %eq3A_476 = vector.broadcast %broadcast_in_dim3A_475 : vector<512x1xf32> to vector<512x2048xf32>
    %eq3A_477 = arith.cmpf oeq, %select_n3A_472, %eq3A_476 : vector<512x2048xf32>
    %jit3A_478 = arith.constant 2.048000e+03 : f32
    %broadcast_in_dim3A_479 = vector.broadcast %jit3A_478 : f32 to vector<512x2048xf32>
    %select_n3A_480 = arith.select %eq3A_477, %convert_element_type3A, %broadcast_in_dim3A_479 : vector<512x2048xi1>, vector<512x2048xf32>
    %reduce_min3A_481 = arith.constant dense<0x7F800000> : vector<512xf32>
    %reduce_min3A_482 = vector.multi_reduction <minimumf>, %select_n3A_480, %reduce_min3A_481 [1] : vector<512x2048xf32> to vector<512xf32>
    %convert_element_type3A_483 = arith.fptosi %reduce_min3A_482 : vector<512xf32> to vector<512xi32>
    %mul3A_484 = arith.constant 2048 : i32
    %mul3A_485 = arith.muli %arg0, %mul3A_484 : i32
    %add3A_486 = vector.broadcast %mul3A_485 : i32 to vector<512xi32>
    %add3A_487 = arith.addi %convert_element_type3A_483, %add3A_486 : vector<512xi32>
    %swap3A_488 = arith.constant 0 : index
    %swap3A_489 = arith.constant 17 : index
    %swap3A_490 = arith.constant 0 : index
    %swap3A_491 = vector.load %arg4[%swap3A_488, %swap3A_489, %swap3A_490] : memref<1x21x512xi32, #tpu.memory_space<vmem>>, vector<1x1x512xi32>
    %swap3A_492 = vector.shape_cast %swap3A_491 : vector<1x1x512xi32> to vector<512xi32>
    %swap3A_493 = vector.shape_cast %add3A_487 : vector<512xi32> to vector<1x1x512xi32>
    tpu.vector_store %arg4[%swap3A_488, %swap3A_489, %swap3A_490], %swap3A_493 {strides = array<i32>} : memref<1x21x512xi32, #tpu.memory_space<vmem>>, vector<1x1x512xi32>,
    %broadcast_in_dim3A_494 = vector.shape_cast %reduce_min3A_482 : vector<512xf32> to vector<512x1xf32>
    %eq3A_495 = vector.broadcast %broadcast_in_dim3A_494 : vector<512x1xf32> to vector<512x2048xf32>
    %eq3A_496 = arith.cmpf oeq, %convert_element_type3A, %eq3A_495 : vector<512x2048xf32>
    %jit3A_497 = arith.constant 0xFF800000 : f32
    %broadcast_in_dim3A_498 = vector.broadcast %jit3A_497 : f32 to vector<512x2048xf32>
    %select_n3A_499 = arith.select %eq3A_496, %broadcast_in_dim3A_498, %select_n3A_472 : vector<512x2048xi1>, vector<512x2048xf32>
    %reduce_max3A_500 = arith.constant dense<0xFF800000> : vector<512xf32>
    %reduce_max3A_501 = vector.multi_reduction <maximumf>, %select_n3A_499, %reduce_max3A_500 [1] : vector<512x2048xf32> to vector<512xf32>
    %broadcast_in_dim3A_502 = vector.shape_cast %reduce_max3A_501 : vector<512xf32> to vector<512x1xf32>
    %eq3A_503 = vector.broadcast %broadcast_in_dim3A_502 : vector<512x1xf32> to vector<512x2048xf32>
    %eq3A_504 = arith.cmpf oeq, %select_n3A_499, %eq3A_503 : vector<512x2048xf32>
    %jit3A_505 = arith.constant 2.048000e+03 : f32
    %broadcast_in_dim3A_506 = vector.broadcast %jit3A_505 : f32 to vector<512x2048xf32>
    %select_n3A_507 = arith.select %eq3A_504, %convert_element_type3A, %broadcast_in_dim3A_506 : vector<512x2048xi1>, vector<512x2048xf32>
    %reduce_min3A_508 = arith.constant dense<0x7F800000> : vector<512xf32>
    %reduce_min3A_509 = vector.multi_reduction <minimumf>, %select_n3A_507, %reduce_min3A_508 [1] : vector<512x2048xf32> to vector<512xf32>
    %convert_element_type3A_510 = arith.fptosi %reduce_min3A_509 : vector<512xf32> to vector<512xi32>
    %mul3A_511 = arith.constant 2048 : i32
    %mul3A_512 = arith.muli %arg0, %mul3A_511 : i32
    %add3A_513 = vector.broadcast %mul3A_512 : i32 to vector<512xi32>
    %add3A_514 = arith.addi %convert_element_type3A_510, %add3A_513 : vector<512xi32>
    %swap3A_515 = arith.constant 0 : index
    %swap3A_516 = arith.constant 18 : index
    %swap3A_517 = arith.constant 0 : index
    %swap3A_518 = vector.load %arg4[%swap3A_515, %swap3A_516, %swap3A_517] : memref<1x21x512xi32, #tpu.memory_space<vmem>>, vector<1x1x512xi32>
    %swap3A_519 = vector.shape_cast %swap3A_518 : vector<1x1x512xi32> to vector<512xi32>
    %swap3A_520 = vector.shape_cast %add3A_514 : vector<512xi32> to vector<1x1x512xi32>
    tpu.vector_store %arg4[%swap3A_515, %swap3A_516, %swap3A_517], %swap3A_520 {strides = array<i32>} : memref<1x21x512xi32, #tpu.memory_space<vmem>>, vector<1x1x512xi32>,
    %broadcast_in_dim3A_521 = vector.shape_cast %reduce_min3A_509 : vector<512xf32> to vector<512x1xf32>
    %eq3A_522 = vector.broadcast %broadcast_in_dim3A_521 : vector<512x1xf32> to vector<512x2048xf32>
    %eq3A_523 = arith.cmpf oeq, %convert_element_type3A, %eq3A_522 : vector<512x2048xf32>
    %jit3A_524 = arith.constant 0xFF800000 : f32
    %broadcast_in_dim3A_525 = vector.broadcast %jit3A_524 : f32 to vector<512x2048xf32>
    %select_n3A_526 = arith.select %eq3A_523, %broadcast_in_dim3A_525, %select_n3A_499 : vector<512x2048xi1>, vector<512x2048xf32>
    %reduce_max3A_527 = arith.constant dense<0xFF800000> : vector<512xf32>
    %reduce_max3A_528 = vector.multi_reduction <maximumf>, %select_n3A_526, %reduce_max3A_527 [1] : vector<512x2048xf32> to vector<512xf32>
    %broadcast_in_dim3A_529 = vector.shape_cast %reduce_max3A_528 : vector<512xf32> to vector<512x1xf32>
    %eq3A_530 = vector.broadcast %broadcast_in_dim3A_529 : vector<512x1xf32> to vector<512x2048xf32>
    %eq3A_531 = arith.cmpf oeq, %select_n3A_526, %eq3A_530 : vector<512x2048xf32>
    %jit3A_532 = arith.constant 2.048000e+03 : f32
    %broadcast_in_dim3A_533 = vector.broadcast %jit3A_532 : f32 to vector<512x2048xf32>
    %select_n3A_534 = arith.select %eq3A_531, %convert_element_type3A, %broadcast_in_dim3A_533 : vector<512x2048xi1>, vector<512x2048xf32>
    %reduce_min3A_535 = arith.constant dense<0x7F800000> : vector<512xf32>
    %reduce_min3A_536 = vector.multi_reduction <minimumf>, %select_n3A_534, %reduce_min3A_535 [1] : vector<512x2048xf32> to vector<512xf32>
    %convert_element_type3A_537 = arith.fptosi %reduce_min3A_536 : vector<512xf32> to vector<512xi32>
    %mul3A_538 = arith.constant 2048 : i32
    %mul3A_539 = arith.muli %arg0, %mul3A_538 : i32
    %add3A_540 = vector.broadcast %mul3A_539 : i32 to vector<512xi32>
    %add3A_541 = arith.addi %convert_element_type3A_537, %add3A_540 : vector<512xi32>
    %swap3A_542 = arith.constant 0 : index
    %swap3A_543 = arith.constant 19 : index
    %swap3A_544 = arith.constant 0 : index
    %swap3A_545 = vector.load %arg4[%swap3A_542, %swap3A_543, %swap3A_544] : memref<1x21x512xi32, #tpu.memory_space<vmem>>, vector<1x1x512xi32>
    %swap3A_546 = vector.shape_cast %swap3A_545 : vector<1x1x512xi32> to vector<512xi32>
    %swap3A_547 = vector.shape_cast %add3A_541 : vector<512xi32> to vector<1x1x512xi32>
    tpu.vector_store %arg4[%swap3A_542, %swap3A_543, %swap3A_544], %swap3A_547 {strides = array<i32>} : memref<1x21x512xi32, #tpu.memory_space<vmem>>, vector<1x1x512xi32>,
    %broadcast_in_dim3A_548 = vector.shape_cast %reduce_min3A_536 : vector<512xf32> to vector<512x1xf32>
    %eq3A_549 = vector.broadcast %broadcast_in_dim3A_548 : vector<512x1xf32> to vector<512x2048xf32>
    %eq3A_550 = arith.cmpf oeq, %convert_element_type3A, %eq3A_549 : vector<512x2048xf32>
    %jit3A_551 = arith.constant 0xFF800000 : f32
    %broadcast_in_dim3A_552 = vector.broadcast %jit3A_551 : f32 to vector<512x2048xf32>
    %select_n3A_553 = arith.select %eq3A_550, %broadcast_in_dim3A_552, %select_n3A_526 : vector<512x2048xi1>, vector<512x2048xf32>
    %reduce_max3A_554 = arith.constant dense<0xFF800000> : vector<512xf32>
    %reduce_max3A_555 = vector.multi_reduction <maximumf>, %select_n3A_553, %reduce_max3A_554 [1] : vector<512x2048xf32> to vector<512xf32>
    %broadcast_in_dim3A_556 = vector.shape_cast %reduce_max3A_555 : vector<512xf32> to vector<512x1xf32>
    %eq3A_557 = vector.broadcast %broadcast_in_dim3A_556 : vector<512x1xf32> to vector<512x2048xf32>
    %eq3A_558 = arith.cmpf oeq, %select_n3A_553, %eq3A_557 : vector<512x2048xf32>
    %jit3A_559 = arith.constant 2.048000e+03 : f32
    %broadcast_in_dim3A_560 = vector.broadcast %jit3A_559 : f32 to vector<512x2048xf32>
    %select_n3A_561 = arith.select %eq3A_558, %convert_element_type3A, %broadcast_in_dim3A_560 : vector<512x2048xi1>, vector<512x2048xf32>
    %reduce_min3A_562 = arith.constant dense<0x7F800000> : vector<512xf32>
    %reduce_min3A_563 = vector.multi_reduction <minimumf>, %select_n3A_561, %reduce_min3A_562 [1] : vector<512x2048xf32> to vector<512xf32>
    %convert_element_type3A_564 = arith.fptosi %reduce_min3A_563 : vector<512xf32> to vector<512xi32>
    %mul3A_565 = arith.constant 2048 : i32
    %mul3A_566 = arith.muli %arg0, %mul3A_565 : i32
    %add3A_567 = vector.broadcast %mul3A_566 : i32 to vector<512xi32>
    %add3A_568 = arith.addi %convert_element_type3A_564, %add3A_567 : vector<512xi32>
    %swap3A_569 = arith.constant 0 : index
    %swap3A_570 = arith.constant 20 : index
    %swap3A_571 = arith.constant 0 : index
    %swap3A_572 = vector.load %arg4[%swap3A_569, %swap3A_570, %swap3A_571] : memref<1x21x512xi32, #tpu.memory_space<vmem>>, vector<1x1x512xi32>
    %swap3A_573 = vector.shape_cast %swap3A_572 : vector<1x1x512xi32> to vector<512xi32>
    %swap3A_574 = vector.shape_cast %add3A_568 : vector<512xi32> to vector<1x1x512xi32>
    tpu.vector_store %arg4[%swap3A_569, %swap3A_570, %swap3A_571], %swap3A_574 {strides = array<i32>} : memref<1x21x512xi32, #tpu.memory_space<vmem>>, vector<1x1x512xi32>,
    %broadcast_in_dim3A_575 = vector.shape_cast %reduce_min3A_563 : vector<512xf32> to vector<512x1xf32>
    %eq3A_576 = vector.broadcast %broadcast_in_dim3A_575 : vector<512x1xf32> to vector<512x2048xf32>
    %eq3A_577 = arith.cmpf oeq, %convert_element_type3A, %eq3A_576 : vector<512x2048xf32>
    %jit3A_578 = arith.constant 0xFF800000 : f32
    %broadcast_in_dim3A_579 = vector.broadcast %jit3A_578 : f32 to vector<512x2048xf32>
    %select_n3A_580 = arith.select %eq3A_577, %broadcast_in_dim3A_579, %select_n3A_553 : vector<512x2048xi1>, vector<512x2048xf32>
    %eq3A_581 = arith.constant 0xFF800000 : f32
    %eq3A_582 = vector.broadcast %eq3A_581 : f32 to vector<512x2048xf32>
    %eq3A_583 = arith.cmpf oeq, %select_n3A_580, %eq3A_582 : vector<512x2048xf32>
    %convert_element_type3A_584 = arith.extui %eq3A_583 : vector<512x2048xi1> to vector<512x2048xi32>
    %convert_element_type3A_585 = arith.sitofp %convert_element_type3A_584 : vector<512x2048xi32> to vector<512x2048xf32>
    %broadcast_in_dim3A_586 = arith.constant 1.000000e+00 : f32
    %broadcast_in_dim3A_587 = vector.broadcast %broadcast_in_dim3A_586 : f32 to vector<1x512xf32>
    %dot_general3A_588 = arith.constant dense<0.000000e+00> : vector<1x2048xf32>
    %dot_general3A_589 = tpu.matmul %broadcast_in_dim3A_587, %convert_element_type3A_585, %dot_general3A_588 {dimension_numbers = #tpu.dot_dimension_numbers<[1], [0], [0], [1], [0, 0, 1, 1], [], []>, transpose_lhs_hint = false} : vector<1x512xf32>, vector<512x2048xf32>, vector<1x2048xf32> -> vector<1x2048xf32>
    %eq3A_590 = arith.constant 0 : i32
    %eq3A_591 = arith.cmpi eq, %arg1, %eq3A_590 : i32
    %convert_element_type3A_592 = arith.extui %eq3A_591 : i1 to i32
    %cond3A = arith.constant 0 : i32
    %cond3A_593 = arith.cmpi ne, %convert_element_type3A_592, %cond3A : i32
    scf.if %cond3A_593 {
      %broadcast_in_dim3A_606 = arith.constant 0.000000e+00 : f32
      %broadcast_in_dim3A_607 = vector.broadcast %broadcast_in_dim3A_606 : f32 to vector<1x2048xf32>
      %swap3A_608 = arith.constant 0 : index
      %swap3A_609 = arith.constant 0 : index
      %swap3A_610 = arith.constant 0 : index
      %swap3A_611 = vector.load %arg5[%swap3A_608, %swap3A_609, %swap3A_610] : memref<1x1x2048xf32, #tpu.memory_space<vmem>>, vector<1x1x2048xf32>
      %swap3A_612 = vector.shape_cast %swap3A_611 : vector<1x1x2048xf32> to vector<1x2048xf32>
      %swap3A_613 = vector.shape_cast %broadcast_in_dim3A_607 : vector<1x2048xf32> to vector<1x1x2048xf32>
      tpu.vector_store %arg5[%swap3A_608, %swap3A_609, %swap3A_610], %swap3A_613 {strides = array<i32>} : memref<1x1x2048xf32, #tpu.memory_space<vmem>>, vector<1x1x2048xf32>,
    } else {
    }
    %get3A_594 = arith.constant 0 : index
    %get3A_595 = arith.constant 0 : index
    %get3A_596 = arith.constant 0 : index
    %get3A_597 = vector.load %arg5[%get3A_594, %get3A_595, %get3A_596] : memref<1x1x2048xf32, #tpu.memory_space<vmem>>, vector<1x1x2048xf32>
    %get3A_598 = vector.shape_cast %get3A_597 : vector<1x1x2048xf32> to vector<1x2048xf32>
    %add3A_599 = arith.addf %get3A_598, %dot_general3A_589 : vector<1x2048xf32>
    %swap3A_600 = arith.constant 0 : index
    %swap3A_601 = arith.constant 0 : index
    %swap3A_602 = arith.constant 0 : index
    %swap3A_603 = vector.load %arg5[%swap3A_600, %swap3A_601, %swap3A_602] : memref<1x1x2048xf32, #tpu.memory_space<vmem>>, vector<1x1x2048xf32>
    %swap3A_604 = vector.shape_cast %swap3A_603 : vector<1x1x2048xf32> to vector<1x2048xf32>
    %swap3A_605 = vector.shape_cast %add3A_599 : vector<1x2048xf32> to vector<1x1x2048xf32>
    tpu.vector_store %arg5[%swap3A_600, %swap3A_601, %swap3A_602], %swap3A_605 {strides = array<i32>} : memref<1x1x2048xf32, #tpu.memory_space<vmem>>, vector<1x1x2048xf32>,
    return
  }
  func.func @transform_0(%arg0: i32, %arg1: i32) -> (i32, i32, i32) {
    %c0_i32 = arith.constant 0 : i32
    %c0_i32_0 = arith.constant 0 : i32
    return %arg0, %arg1, %c0_i32 : i32, i32, i32
  }
  func.func @transform_1(%arg0: i32, %arg1: i32) -> (i32, i32, i32) {
    %c0_i32 = arith.constant 0 : i32
    %c0_i32_0 = arith.constant 0 : i32
    %c0_i32_1 = arith.constant 0 : i32
    return %arg0, %c0_i32, %c0_i32_0 : i32, i32, i32
  }
  func.func @transform_2(%arg0: i32, %arg1: i32) -> (i32, i32, i32) {
    %c0_i32 = arith.constant 0 : i32
    %c0_i32_0 = arith.constant 0 : i32
    return %arg0, %c0_i32, %arg1 : i32, i32, i32
  }
  func.func @transform_3(%arg0: i32, %arg1: i32) -> (i32, i32, i32) {
    %c0_i32 = arith.constant 0 : i32
    %c0_i32_0 = arith.constant 0 : i32
    %c0_i32_1 = arith.constant 0 : i32
    return %arg0, %c0_i32, %c0_i32_0 : i32, i32, i32
  }
}

module attributes {stable_mosaic.version = 14 : i64} {
  func.func @_point_body(%arg0: memref<8x16x6144xf32, #tpu.memory_space<vmem>>, %arg1: memref<16x16xf32, #tpu.memory_space<vmem>>, %arg2: memref<16x16xf32, #tpu.memory_space<vmem>>, %arg3: memref<16x1xf32, #tpu.memory_space<vmem>>, %arg4: memref<16x1xf32, #tpu.memory_space<vmem>>, %arg5: memref<8x1x2048xf32, #tpu.memory_space<vmem>>, %arg6: memref<8x2048x128xf32, #tpu.memory_space<vmem>>) attributes {dimension_semantics = [], scalar_prefetch = 0 : i64, scratch_operands = 0 : i64, tpu.core_type = #tpu.core_type<tc>} {
    %get3A = arith.constant 0 : index
    %get3A_0 = arith.constant 0 : index
    %get3A_1 = vector.load %arg1[%get3A, %get3A_0] : memref<16x16xf32, #tpu.memory_space<vmem>>, vector<16x16xf32>
    %get3A_2 = arith.constant 0 : index
    %get3A_3 = arith.constant 0 : index
    %get3A_4 = vector.load %arg2[%get3A_2, %get3A_3] : memref<16x16xf32, #tpu.memory_space<vmem>>, vector<16x16xf32>
    %broadcast_in_dim3A = arith.constant 0.000000e+00 : f32
    %broadcast_in_dim3A_5 = vector.broadcast %broadcast_in_dim3A : f32 to vector<16x1xf32>
    %broadcast_in_dim3A_6 = arith.constant 0.000000e+00 : f32
    %broadcast_in_dim3A_7 = vector.broadcast %broadcast_in_dim3A_6 : f32 to vector<16x1xf32>
    %get3A_8 = arith.constant 0 : index
    %get3A_9 = arith.constant 0 : index
    %get3A_10 = arith.constant 0 : index
    %get3A_11 = vector.load %arg0[%get3A_8, %get3A_9, %get3A_10] : memref<8x16x6144xf32, #tpu.memory_space<vmem>>, vector<1x16x6144xf32>
    %get3A_12 = vector.shape_cast %get3A_11 : vector<1x16x6144xf32> to vector<16x6144xf32>
    %dot_general3A = arith.constant dense<0.000000e+00> : vector<16x6144xf32>
    %dot_general3A_13 = tpu.matmul %get3A_1, %get3A_12, %dot_general3A {dimension_numbers = #tpu.dot_dimension_numbers<[1], [0], [0], [1], [0, 0, 1, 1], [], []>, transpose_lhs_hint = false} : vector<16x16xf32>, vector<16x6144xf32>, vector<16x6144xf32> -> vector<16x6144xf32>
    %dot_general3A_14 = arith.constant dense<0.000000e+00> : vector<16x6144xf32>
    %dot_general3A_15 = tpu.matmul %get3A_4, %get3A_12, %dot_general3A_14 {dimension_numbers = #tpu.dot_dimension_numbers<[1], [0], [0], [1], [0, 0, 1, 1], [], []>, transpose_lhs_hint = false} : vector<16x16xf32>, vector<16x6144xf32>, vector<16x6144xf32> -> vector<16x6144xf32>
    %slice3A = vector.extract_strided_slice %dot_general3A_13 {offsets = [0, 0], sizes = [16, 2048], strides = [1, 1]} : vector<16x6144xf32> to vector<16x2048xf32>
    %slice3A_16 = vector.extract_strided_slice %dot_general3A_13 {offsets = [0, 0], sizes = [16, 2048], strides = [1, 1]} : vector<16x6144xf32> to vector<16x2048xf32>
    %mul3A = arith.mulf %slice3A, %slice3A_16 : vector<16x2048xf32>
    %slice3A_17 = vector.extract_strided_slice %dot_general3A_13 {offsets = [0, 2048], sizes = [16, 2048], strides = [1, 1]} : vector<16x6144xf32> to vector<16x2048xf32>
    %slice3A_18 = vector.extract_strided_slice %dot_general3A_13 {offsets = [0, 2048], sizes = [16, 2048], strides = [1, 1]} : vector<16x6144xf32> to vector<16x2048xf32>
    %mul3A_19 = arith.mulf %slice3A_17, %slice3A_18 : vector<16x2048xf32>
    %add3A = arith.addf %mul3A, %mul3A_19 : vector<16x2048xf32>
    %slice3A_20 = vector.extract_strided_slice %dot_general3A_13 {offsets = [0, 4096], sizes = [16, 2048], strides = [1, 1]} : vector<16x6144xf32> to vector<16x2048xf32>
    %slice3A_21 = vector.extract_strided_slice %dot_general3A_13 {offsets = [0, 4096], sizes = [16, 2048], strides = [1, 1]} : vector<16x6144xf32> to vector<16x2048xf32>
    %mul3A_22 = arith.mulf %slice3A_20, %slice3A_21 : vector<16x2048xf32>
    %add3A_23 = arith.addf %add3A, %mul3A_22 : vector<16x2048xf32>
    %sqrt3A = math.sqrt %add3A_23 : vector<16x2048xf32>
    %get3A_24 = arith.constant 0 : index
    %get3A_25 = arith.constant 0 : index
    %get3A_26 = arith.constant 0 : index
    %get3A_27 = vector.load %arg5[%get3A_24, %get3A_25, %get3A_26] : memref<8x1x2048xf32, #tpu.memory_space<vmem>>, vector<1x1x2048xf32>
    %get3A_28 = vector.shape_cast %get3A_27 : vector<1x1x2048xf32> to vector<1x2048xf32>
    %mul3A_29 = vector.broadcast %get3A_28 : vector<1x2048xf32> to vector<16x2048xf32>
    %mul3A_30 = arith.mulf %sqrt3A, %mul3A_29 : vector<16x2048xf32>
    %reduce_sum3A = arith.constant dense<0.000000e+00> : vector<16xf32>
    %reduce_sum3A_31 = vector.multi_reduction <add>, %mul3A_30, %reduce_sum3A [1] : vector<16x2048xf32> to vector<16xf32>
    %broadcast_in_dim3A_32 = vector.shape_cast %reduce_sum3A_31 : vector<16xf32> to vector<16x1xf32>
    %add3A_33 = arith.addf %broadcast_in_dim3A_5, %broadcast_in_dim3A_32 : vector<16x1xf32>
    %mul3A_34 = vector.broadcast %get3A_28 : vector<1x2048xf32> to vector<16x2048xf32>
    %mul3A_35 = arith.mulf %add3A_23, %mul3A_34 : vector<16x2048xf32>
    %reduce_sum3A_36 = arith.constant dense<0.000000e+00> : vector<16xf32>
    %reduce_sum3A_37 = vector.multi_reduction <add>, %mul3A_35, %reduce_sum3A_36 [1] : vector<16x2048xf32> to vector<16xf32>
    %broadcast_in_dim3A_38 = vector.shape_cast %reduce_sum3A_37 : vector<16xf32> to vector<16x1xf32>
    %add3A_39 = arith.addf %broadcast_in_dim3A_7, %broadcast_in_dim3A_38 : vector<16x1xf32>
    %get3A_40 = arith.constant 1 : index
    %get3A_41 = arith.constant 0 : index
    %get3A_42 = arith.constant 0 : index
    %get3A_43 = vector.load %arg0[%get3A_40, %get3A_41, %get3A_42] : memref<8x16x6144xf32, #tpu.memory_space<vmem>>, vector<1x16x6144xf32>
    %get3A_44 = vector.shape_cast %get3A_43 : vector<1x16x6144xf32> to vector<16x6144xf32>
    %dot_general3A_45 = arith.constant dense<0.000000e+00> : vector<16x6144xf32>
    %dot_general3A_46 = tpu.matmul %get3A_1, %get3A_44, %dot_general3A_45 {dimension_numbers = #tpu.dot_dimension_numbers<[1], [0], [0], [1], [0, 0, 1, 1], [], []>, transpose_lhs_hint = false} : vector<16x16xf32>, vector<16x6144xf32>, vector<16x6144xf32> -> vector<16x6144xf32>
    %dot_general3A_47 = arith.constant dense<0.000000e+00> : vector<16x6144xf32>
    %dot_general3A_48 = tpu.matmul %get3A_4, %get3A_44, %dot_general3A_47 {dimension_numbers = #tpu.dot_dimension_numbers<[1], [0], [0], [1], [0, 0, 1, 1], [], []>, transpose_lhs_hint = false} : vector<16x16xf32>, vector<16x6144xf32>, vector<16x6144xf32> -> vector<16x6144xf32>
    %slice3A_49 = vector.extract_strided_slice %dot_general3A_46 {offsets = [0, 0], sizes = [16, 2048], strides = [1, 1]} : vector<16x6144xf32> to vector<16x2048xf32>
    %slice3A_50 = vector.extract_strided_slice %dot_general3A_46 {offsets = [0, 0], sizes = [16, 2048], strides = [1, 1]} : vector<16x6144xf32> to vector<16x2048xf32>
    %mul3A_51 = arith.mulf %slice3A_49, %slice3A_50 : vector<16x2048xf32>
    %slice3A_52 = vector.extract_strided_slice %dot_general3A_46 {offsets = [0, 2048], sizes = [16, 2048], strides = [1, 1]} : vector<16x6144xf32> to vector<16x2048xf32>
    %slice3A_53 = vector.extract_strided_slice %dot_general3A_46 {offsets = [0, 2048], sizes = [16, 2048], strides = [1, 1]} : vector<16x6144xf32> to vector<16x2048xf32>
    %mul3A_54 = arith.mulf %slice3A_52, %slice3A_53 : vector<16x2048xf32>
    %add3A_55 = arith.addf %mul3A_51, %mul3A_54 : vector<16x2048xf32>
    %slice3A_56 = vector.extract_strided_slice %dot_general3A_46 {offsets = [0, 4096], sizes = [16, 2048], strides = [1, 1]} : vector<16x6144xf32> to vector<16x2048xf32>
    %slice3A_57 = vector.extract_strided_slice %dot_general3A_46 {offsets = [0, 4096], sizes = [16, 2048], strides = [1, 1]} : vector<16x6144xf32> to vector<16x2048xf32>
    %mul3A_58 = arith.mulf %slice3A_56, %slice3A_57 : vector<16x2048xf32>
    %add3A_59 = arith.addf %add3A_55, %mul3A_58 : vector<16x2048xf32>
    %sqrt3A_60 = math.sqrt %add3A_59 : vector<16x2048xf32>
    %get3A_61 = arith.constant 1 : index
    %get3A_62 = arith.constant 0 : index
    %get3A_63 = arith.constant 0 : index
    %get3A_64 = vector.load %arg5[%get3A_61, %get3A_62, %get3A_63] : memref<8x1x2048xf32, #tpu.memory_space<vmem>>, vector<1x1x2048xf32>
    %get3A_65 = vector.shape_cast %get3A_64 : vector<1x1x2048xf32> to vector<1x2048xf32>
    %mul3A_66 = vector.broadcast %get3A_65 : vector<1x2048xf32> to vector<16x2048xf32>
    %mul3A_67 = arith.mulf %sqrt3A_60, %mul3A_66 : vector<16x2048xf32>
    %reduce_sum3A_68 = arith.constant dense<0.000000e+00> : vector<16xf32>
    %reduce_sum3A_69 = vector.multi_reduction <add>, %mul3A_67, %reduce_sum3A_68 [1] : vector<16x2048xf32> to vector<16xf32>
    %broadcast_in_dim3A_70 = vector.shape_cast %reduce_sum3A_69 : vector<16xf32> to vector<16x1xf32>
    %add3A_71 = arith.addf %add3A_33, %broadcast_in_dim3A_70 : vector<16x1xf32>
    %mul3A_72 = vector.broadcast %get3A_65 : vector<1x2048xf32> to vector<16x2048xf32>
    %mul3A_73 = arith.mulf %add3A_59, %mul3A_72 : vector<16x2048xf32>
    %reduce_sum3A_74 = arith.constant dense<0.000000e+00> : vector<16xf32>
    %reduce_sum3A_75 = vector.multi_reduction <add>, %mul3A_73, %reduce_sum3A_74 [1] : vector<16x2048xf32> to vector<16xf32>
    %broadcast_in_dim3A_76 = vector.shape_cast %reduce_sum3A_75 : vector<16xf32> to vector<16x1xf32>
    %add3A_77 = arith.addf %add3A_39, %broadcast_in_dim3A_76 : vector<16x1xf32>
    %get3A_78 = arith.constant 2 : index
    %get3A_79 = arith.constant 0 : index
    %get3A_80 = arith.constant 0 : index
    %get3A_81 = vector.load %arg0[%get3A_78, %get3A_79, %get3A_80] : memref<8x16x6144xf32, #tpu.memory_space<vmem>>, vector<1x16x6144xf32>
    %get3A_82 = vector.shape_cast %get3A_81 : vector<1x16x6144xf32> to vector<16x6144xf32>
    %dot_general3A_83 = arith.constant dense<0.000000e+00> : vector<16x6144xf32>
    %dot_general3A_84 = tpu.matmul %get3A_1, %get3A_82, %dot_general3A_83 {dimension_numbers = #tpu.dot_dimension_numbers<[1], [0], [0], [1], [0, 0, 1, 1], [], []>, transpose_lhs_hint = false} : vector<16x16xf32>, vector<16x6144xf32>, vector<16x6144xf32> -> vector<16x6144xf32>
    %dot_general3A_85 = arith.constant dense<0.000000e+00> : vector<16x6144xf32>
    %dot_general3A_86 = tpu.matmul %get3A_4, %get3A_82, %dot_general3A_85 {dimension_numbers = #tpu.dot_dimension_numbers<[1], [0], [0], [1], [0, 0, 1, 1], [], []>, transpose_lhs_hint = false} : vector<16x16xf32>, vector<16x6144xf32>, vector<16x6144xf32> -> vector<16x6144xf32>
    %slice3A_87 = vector.extract_strided_slice %dot_general3A_84 {offsets = [0, 0], sizes = [16, 2048], strides = [1, 1]} : vector<16x6144xf32> to vector<16x2048xf32>
    %slice3A_88 = vector.extract_strided_slice %dot_general3A_84 {offsets = [0, 0], sizes = [16, 2048], strides = [1, 1]} : vector<16x6144xf32> to vector<16x2048xf32>
    %mul3A_89 = arith.mulf %slice3A_87, %slice3A_88 : vector<16x2048xf32>
    %slice3A_90 = vector.extract_strided_slice %dot_general3A_84 {offsets = [0, 2048], sizes = [16, 2048], strides = [1, 1]} : vector<16x6144xf32> to vector<16x2048xf32>
    %slice3A_91 = vector.extract_strided_slice %dot_general3A_84 {offsets = [0, 2048], sizes = [16, 2048], strides = [1, 1]} : vector<16x6144xf32> to vector<16x2048xf32>
    %mul3A_92 = arith.mulf %slice3A_90, %slice3A_91 : vector<16x2048xf32>
    %add3A_93 = arith.addf %mul3A_89, %mul3A_92 : vector<16x2048xf32>
    %slice3A_94 = vector.extract_strided_slice %dot_general3A_84 {offsets = [0, 4096], sizes = [16, 2048], strides = [1, 1]} : vector<16x6144xf32> to vector<16x2048xf32>
    %slice3A_95 = vector.extract_strided_slice %dot_general3A_84 {offsets = [0, 4096], sizes = [16, 2048], strides = [1, 1]} : vector<16x6144xf32> to vector<16x2048xf32>
    %mul3A_96 = arith.mulf %slice3A_94, %slice3A_95 : vector<16x2048xf32>
    %add3A_97 = arith.addf %add3A_93, %mul3A_96 : vector<16x2048xf32>
    %sqrt3A_98 = math.sqrt %add3A_97 : vector<16x2048xf32>
    %get3A_99 = arith.constant 2 : index
    %get3A_100 = arith.constant 0 : index
    %get3A_101 = arith.constant 0 : index
    %get3A_102 = vector.load %arg5[%get3A_99, %get3A_100, %get3A_101] : memref<8x1x2048xf32, #tpu.memory_space<vmem>>, vector<1x1x2048xf32>
    %get3A_103 = vector.shape_cast %get3A_102 : vector<1x1x2048xf32> to vector<1x2048xf32>
    %mul3A_104 = vector.broadcast %get3A_103 : vector<1x2048xf32> to vector<16x2048xf32>
    %mul3A_105 = arith.mulf %sqrt3A_98, %mul3A_104 : vector<16x2048xf32>
    %reduce_sum3A_106 = arith.constant dense<0.000000e+00> : vector<16xf32>
    %reduce_sum3A_107 = vector.multi_reduction <add>, %mul3A_105, %reduce_sum3A_106 [1] : vector<16x2048xf32> to vector<16xf32>
    %broadcast_in_dim3A_108 = vector.shape_cast %reduce_sum3A_107 : vector<16xf32> to vector<16x1xf32>
    %add3A_109 = arith.addf %add3A_71, %broadcast_in_dim3A_108 : vector<16x1xf32>
    %mul3A_110 = vector.broadcast %get3A_103 : vector<1x2048xf32> to vector<16x2048xf32>
    %mul3A_111 = arith.mulf %add3A_97, %mul3A_110 : vector<16x2048xf32>
    %reduce_sum3A_112 = arith.constant dense<0.000000e+00> : vector<16xf32>
    %reduce_sum3A_113 = vector.multi_reduction <add>, %mul3A_111, %reduce_sum3A_112 [1] : vector<16x2048xf32> to vector<16xf32>
    %broadcast_in_dim3A_114 = vector.shape_cast %reduce_sum3A_113 : vector<16xf32> to vector<16x1xf32>
    %add3A_115 = arith.addf %add3A_77, %broadcast_in_dim3A_114 : vector<16x1xf32>
    %get3A_116 = arith.constant 3 : index
    %get3A_117 = arith.constant 0 : index
    %get3A_118 = arith.constant 0 : index
    %get3A_119 = vector.load %arg0[%get3A_116, %get3A_117, %get3A_118] : memref<8x16x6144xf32, #tpu.memory_space<vmem>>, vector<1x16x6144xf32>
    %get3A_120 = vector.shape_cast %get3A_119 : vector<1x16x6144xf32> to vector<16x6144xf32>
    %dot_general3A_121 = arith.constant dense<0.000000e+00> : vector<16x6144xf32>
    %dot_general3A_122 = tpu.matmul %get3A_1, %get3A_120, %dot_general3A_121 {dimension_numbers = #tpu.dot_dimension_numbers<[1], [0], [0], [1], [0, 0, 1, 1], [], []>, transpose_lhs_hint = false} : vector<16x16xf32>, vector<16x6144xf32>, vector<16x6144xf32> -> vector<16x6144xf32>
    %dot_general3A_123 = arith.constant dense<0.000000e+00> : vector<16x6144xf32>
    %dot_general3A_124 = tpu.matmul %get3A_4, %get3A_120, %dot_general3A_123 {dimension_numbers = #tpu.dot_dimension_numbers<[1], [0], [0], [1], [0, 0, 1, 1], [], []>, transpose_lhs_hint = false} : vector<16x16xf32>, vector<16x6144xf32>, vector<16x6144xf32> -> vector<16x6144xf32>
    %slice3A_125 = vector.extract_strided_slice %dot_general3A_122 {offsets = [0, 0], sizes = [16, 2048], strides = [1, 1]} : vector<16x6144xf32> to vector<16x2048xf32>
    %slice3A_126 = vector.extract_strided_slice %dot_general3A_122 {offsets = [0, 0], sizes = [16, 2048], strides = [1, 1]} : vector<16x6144xf32> to vector<16x2048xf32>
    %mul3A_127 = arith.mulf %slice3A_125, %slice3A_126 : vector<16x2048xf32>
    %slice3A_128 = vector.extract_strided_slice %dot_general3A_122 {offsets = [0, 2048], sizes = [16, 2048], strides = [1, 1]} : vector<16x6144xf32> to vector<16x2048xf32>
    %slice3A_129 = vector.extract_strided_slice %dot_general3A_122 {offsets = [0, 2048], sizes = [16, 2048], strides = [1, 1]} : vector<16x6144xf32> to vector<16x2048xf32>
    %mul3A_130 = arith.mulf %slice3A_128, %slice3A_129 : vector<16x2048xf32>
    %add3A_131 = arith.addf %mul3A_127, %mul3A_130 : vector<16x2048xf32>
    %slice3A_132 = vector.extract_strided_slice %dot_general3A_122 {offsets = [0, 4096], sizes = [16, 2048], strides = [1, 1]} : vector<16x6144xf32> to vector<16x2048xf32>
    %slice3A_133 = vector.extract_strided_slice %dot_general3A_122 {offsets = [0, 4096], sizes = [16, 2048], strides = [1, 1]} : vector<16x6144xf32> to vector<16x2048xf32>
    %mul3A_134 = arith.mulf %slice3A_132, %slice3A_133 : vector<16x2048xf32>
    %add3A_135 = arith.addf %add3A_131, %mul3A_134 : vector<16x2048xf32>
    %sqrt3A_136 = math.sqrt %add3A_135 : vector<16x2048xf32>
    %get3A_137 = arith.constant 3 : index
    %get3A_138 = arith.constant 0 : index
    %get3A_139 = arith.constant 0 : index
    %get3A_140 = vector.load %arg5[%get3A_137, %get3A_138, %get3A_139] : memref<8x1x2048xf32, #tpu.memory_space<vmem>>, vector<1x1x2048xf32>
    %get3A_141 = vector.shape_cast %get3A_140 : vector<1x1x2048xf32> to vector<1x2048xf32>
    %mul3A_142 = vector.broadcast %get3A_141 : vector<1x2048xf32> to vector<16x2048xf32>
    %mul3A_143 = arith.mulf %sqrt3A_136, %mul3A_142 : vector<16x2048xf32>
    %reduce_sum3A_144 = arith.constant dense<0.000000e+00> : vector<16xf32>
    %reduce_sum3A_145 = vector.multi_reduction <add>, %mul3A_143, %reduce_sum3A_144 [1] : vector<16x2048xf32> to vector<16xf32>
    %broadcast_in_dim3A_146 = vector.shape_cast %reduce_sum3A_145 : vector<16xf32> to vector<16x1xf32>
    %add3A_147 = arith.addf %add3A_109, %broadcast_in_dim3A_146 : vector<16x1xf32>
    %mul3A_148 = vector.broadcast %get3A_141 : vector<1x2048xf32> to vector<16x2048xf32>
    %mul3A_149 = arith.mulf %add3A_135, %mul3A_148 : vector<16x2048xf32>
    %reduce_sum3A_150 = arith.constant dense<0.000000e+00> : vector<16xf32>
    %reduce_sum3A_151 = vector.multi_reduction <add>, %mul3A_149, %reduce_sum3A_150 [1] : vector<16x2048xf32> to vector<16xf32>
    %broadcast_in_dim3A_152 = vector.shape_cast %reduce_sum3A_151 : vector<16xf32> to vector<16x1xf32>
    %add3A_153 = arith.addf %add3A_115, %broadcast_in_dim3A_152 : vector<16x1xf32>
    %get3A_154 = arith.constant 4 : index
    %get3A_155 = arith.constant 0 : index
    %get3A_156 = arith.constant 0 : index
    %get3A_157 = vector.load %arg0[%get3A_154, %get3A_155, %get3A_156] : memref<8x16x6144xf32, #tpu.memory_space<vmem>>, vector<1x16x6144xf32>
    %get3A_158 = vector.shape_cast %get3A_157 : vector<1x16x6144xf32> to vector<16x6144xf32>
    %dot_general3A_159 = arith.constant dense<0.000000e+00> : vector<16x6144xf32>
    %dot_general3A_160 = tpu.matmul %get3A_1, %get3A_158, %dot_general3A_159 {dimension_numbers = #tpu.dot_dimension_numbers<[1], [0], [0], [1], [0, 0, 1, 1], [], []>, transpose_lhs_hint = false} : vector<16x16xf32>, vector<16x6144xf32>, vector<16x6144xf32> -> vector<16x6144xf32>
    %dot_general3A_161 = arith.constant dense<0.000000e+00> : vector<16x6144xf32>
    %dot_general3A_162 = tpu.matmul %get3A_4, %get3A_158, %dot_general3A_161 {dimension_numbers = #tpu.dot_dimension_numbers<[1], [0], [0], [1], [0, 0, 1, 1], [], []>, transpose_lhs_hint = false} : vector<16x16xf32>, vector<16x6144xf32>, vector<16x6144xf32> -> vector<16x6144xf32>
    %slice3A_163 = vector.extract_strided_slice %dot_general3A_160 {offsets = [0, 0], sizes = [16, 2048], strides = [1, 1]} : vector<16x6144xf32> to vector<16x2048xf32>
    %slice3A_164 = vector.extract_strided_slice %dot_general3A_160 {offsets = [0, 0], sizes = [16, 2048], strides = [1, 1]} : vector<16x6144xf32> to vector<16x2048xf32>
    %mul3A_165 = arith.mulf %slice3A_163, %slice3A_164 : vector<16x2048xf32>
    %slice3A_166 = vector.extract_strided_slice %dot_general3A_160 {offsets = [0, 2048], sizes = [16, 2048], strides = [1, 1]} : vector<16x6144xf32> to vector<16x2048xf32>
    %slice3A_167 = vector.extract_strided_slice %dot_general3A_160 {offsets = [0, 2048], sizes = [16, 2048], strides = [1, 1]} : vector<16x6144xf32> to vector<16x2048xf32>
    %mul3A_168 = arith.mulf %slice3A_166, %slice3A_167 : vector<16x2048xf32>
    %add3A_169 = arith.addf %mul3A_165, %mul3A_168 : vector<16x2048xf32>
    %slice3A_170 = vector.extract_strided_slice %dot_general3A_160 {offsets = [0, 4096], sizes = [16, 2048], strides = [1, 1]} : vector<16x6144xf32> to vector<16x2048xf32>
    %slice3A_171 = vector.extract_strided_slice %dot_general3A_160 {offsets = [0, 4096], sizes = [16, 2048], strides = [1, 1]} : vector<16x6144xf32> to vector<16x2048xf32>
    %mul3A_172 = arith.mulf %slice3A_170, %slice3A_171 : vector<16x2048xf32>
    %add3A_173 = arith.addf %add3A_169, %mul3A_172 : vector<16x2048xf32>
    %sqrt3A_174 = math.sqrt %add3A_173 : vector<16x2048xf32>
    %get3A_175 = arith.constant 4 : index
    %get3A_176 = arith.constant 0 : index
    %get3A_177 = arith.constant 0 : index
    %get3A_178 = vector.load %arg5[%get3A_175, %get3A_176, %get3A_177] : memref<8x1x2048xf32, #tpu.memory_space<vmem>>, vector<1x1x2048xf32>
    %get3A_179 = vector.shape_cast %get3A_178 : vector<1x1x2048xf32> to vector<1x2048xf32>
    %mul3A_180 = vector.broadcast %get3A_179 : vector<1x2048xf32> to vector<16x2048xf32>
    %mul3A_181 = arith.mulf %sqrt3A_174, %mul3A_180 : vector<16x2048xf32>
    %reduce_sum3A_182 = arith.constant dense<0.000000e+00> : vector<16xf32>
    %reduce_sum3A_183 = vector.multi_reduction <add>, %mul3A_181, %reduce_sum3A_182 [1] : vector<16x2048xf32> to vector<16xf32>
    %broadcast_in_dim3A_184 = vector.shape_cast %reduce_sum3A_183 : vector<16xf32> to vector<16x1xf32>
    %add3A_185 = arith.addf %add3A_147, %broadcast_in_dim3A_184 : vector<16x1xf32>
    %mul3A_186 = vector.broadcast %get3A_179 : vector<1x2048xf32> to vector<16x2048xf32>
    %mul3A_187 = arith.mulf %add3A_173, %mul3A_186 : vector<16x2048xf32>
    %reduce_sum3A_188 = arith.constant dense<0.000000e+00> : vector<16xf32>
    %reduce_sum3A_189 = vector.multi_reduction <add>, %mul3A_187, %reduce_sum3A_188 [1] : vector<16x2048xf32> to vector<16xf32>
    %broadcast_in_dim3A_190 = vector.shape_cast %reduce_sum3A_189 : vector<16xf32> to vector<16x1xf32>
    %add3A_191 = arith.addf %add3A_153, %broadcast_in_dim3A_190 : vector<16x1xf32>
    %get3A_192 = arith.constant 5 : index
    %get3A_193 = arith.constant 0 : index
    %get3A_194 = arith.constant 0 : index
    %get3A_195 = vector.load %arg0[%get3A_192, %get3A_193, %get3A_194] : memref<8x16x6144xf32, #tpu.memory_space<vmem>>, vector<1x16x6144xf32>
    %get3A_196 = vector.shape_cast %get3A_195 : vector<1x16x6144xf32> to vector<16x6144xf32>
    %dot_general3A_197 = arith.constant dense<0.000000e+00> : vector<16x6144xf32>
    %dot_general3A_198 = tpu.matmul %get3A_1, %get3A_196, %dot_general3A_197 {dimension_numbers = #tpu.dot_dimension_numbers<[1], [0], [0], [1], [0, 0, 1, 1], [], []>, transpose_lhs_hint = false} : vector<16x16xf32>, vector<16x6144xf32>, vector<16x6144xf32> -> vector<16x6144xf32>
    %dot_general3A_199 = arith.constant dense<0.000000e+00> : vector<16x6144xf32>
    %dot_general3A_200 = tpu.matmul %get3A_4, %get3A_196, %dot_general3A_199 {dimension_numbers = #tpu.dot_dimension_numbers<[1], [0], [0], [1], [0, 0, 1, 1], [], []>, transpose_lhs_hint = false} : vector<16x16xf32>, vector<16x6144xf32>, vector<16x6144xf32> -> vector<16x6144xf32>
    %slice3A_201 = vector.extract_strided_slice %dot_general3A_198 {offsets = [0, 0], sizes = [16, 2048], strides = [1, 1]} : vector<16x6144xf32> to vector<16x2048xf32>
    %slice3A_202 = vector.extract_strided_slice %dot_general3A_198 {offsets = [0, 0], sizes = [16, 2048], strides = [1, 1]} : vector<16x6144xf32> to vector<16x2048xf32>
    %mul3A_203 = arith.mulf %slice3A_201, %slice3A_202 : vector<16x2048xf32>
    %slice3A_204 = vector.extract_strided_slice %dot_general3A_198 {offsets = [0, 2048], sizes = [16, 2048], strides = [1, 1]} : vector<16x6144xf32> to vector<16x2048xf32>
    %slice3A_205 = vector.extract_strided_slice %dot_general3A_198 {offsets = [0, 2048], sizes = [16, 2048], strides = [1, 1]} : vector<16x6144xf32> to vector<16x2048xf32>
    %mul3A_206 = arith.mulf %slice3A_204, %slice3A_205 : vector<16x2048xf32>
    %add3A_207 = arith.addf %mul3A_203, %mul3A_206 : vector<16x2048xf32>
    %slice3A_208 = vector.extract_strided_slice %dot_general3A_198 {offsets = [0, 4096], sizes = [16, 2048], strides = [1, 1]} : vector<16x6144xf32> to vector<16x2048xf32>
    %slice3A_209 = vector.extract_strided_slice %dot_general3A_198 {offsets = [0, 4096], sizes = [16, 2048], strides = [1, 1]} : vector<16x6144xf32> to vector<16x2048xf32>
    %mul3A_210 = arith.mulf %slice3A_208, %slice3A_209 : vector<16x2048xf32>
    %add3A_211 = arith.addf %add3A_207, %mul3A_210 : vector<16x2048xf32>
    %sqrt3A_212 = math.sqrt %add3A_211 : vector<16x2048xf32>
    %get3A_213 = arith.constant 5 : index
    %get3A_214 = arith.constant 0 : index
    %get3A_215 = arith.constant 0 : index
    %get3A_216 = vector.load %arg5[%get3A_213, %get3A_214, %get3A_215] : memref<8x1x2048xf32, #tpu.memory_space<vmem>>, vector<1x1x2048xf32>
    %get3A_217 = vector.shape_cast %get3A_216 : vector<1x1x2048xf32> to vector<1x2048xf32>
    %mul3A_218 = vector.broadcast %get3A_217 : vector<1x2048xf32> to vector<16x2048xf32>
    %mul3A_219 = arith.mulf %sqrt3A_212, %mul3A_218 : vector<16x2048xf32>
    %reduce_sum3A_220 = arith.constant dense<0.000000e+00> : vector<16xf32>
    %reduce_sum3A_221 = vector.multi_reduction <add>, %mul3A_219, %reduce_sum3A_220 [1] : vector<16x2048xf32> to vector<16xf32>
    %broadcast_in_dim3A_222 = vector.shape_cast %reduce_sum3A_221 : vector<16xf32> to vector<16x1xf32>
    %add3A_223 = arith.addf %add3A_185, %broadcast_in_dim3A_222 : vector<16x1xf32>
    %mul3A_224 = vector.broadcast %get3A_217 : vector<1x2048xf32> to vector<16x2048xf32>
    %mul3A_225 = arith.mulf %add3A_211, %mul3A_224 : vector<16x2048xf32>
    %reduce_sum3A_226 = arith.constant dense<0.000000e+00> : vector<16xf32>
    %reduce_sum3A_227 = vector.multi_reduction <add>, %mul3A_225, %reduce_sum3A_226 [1] : vector<16x2048xf32> to vector<16xf32>
    %broadcast_in_dim3A_228 = vector.shape_cast %reduce_sum3A_227 : vector<16xf32> to vector<16x1xf32>
    %add3A_229 = arith.addf %add3A_191, %broadcast_in_dim3A_228 : vector<16x1xf32>
    %get3A_230 = arith.constant 6 : index
    %get3A_231 = arith.constant 0 : index
    %get3A_232 = arith.constant 0 : index
    %get3A_233 = vector.load %arg0[%get3A_230, %get3A_231, %get3A_232] : memref<8x16x6144xf32, #tpu.memory_space<vmem>>, vector<1x16x6144xf32>
    %get3A_234 = vector.shape_cast %get3A_233 : vector<1x16x6144xf32> to vector<16x6144xf32>
    %dot_general3A_235 = arith.constant dense<0.000000e+00> : vector<16x6144xf32>
    %dot_general3A_236 = tpu.matmul %get3A_1, %get3A_234, %dot_general3A_235 {dimension_numbers = #tpu.dot_dimension_numbers<[1], [0], [0], [1], [0, 0, 1, 1], [], []>, transpose_lhs_hint = false} : vector<16x16xf32>, vector<16x6144xf32>, vector<16x6144xf32> -> vector<16x6144xf32>
    %dot_general3A_237 = arith.constant dense<0.000000e+00> : vector<16x6144xf32>
    %dot_general3A_238 = tpu.matmul %get3A_4, %get3A_234, %dot_general3A_237 {dimension_numbers = #tpu.dot_dimension_numbers<[1], [0], [0], [1], [0, 0, 1, 1], [], []>, transpose_lhs_hint = false} : vector<16x16xf32>, vector<16x6144xf32>, vector<16x6144xf32> -> vector<16x6144xf32>
    %slice3A_239 = vector.extract_strided_slice %dot_general3A_236 {offsets = [0, 0], sizes = [16, 2048], strides = [1, 1]} : vector<16x6144xf32> to vector<16x2048xf32>
    %slice3A_240 = vector.extract_strided_slice %dot_general3A_236 {offsets = [0, 0], sizes = [16, 2048], strides = [1, 1]} : vector<16x6144xf32> to vector<16x2048xf32>
    %mul3A_241 = arith.mulf %slice3A_239, %slice3A_240 : vector<16x2048xf32>
    %slice3A_242 = vector.extract_strided_slice %dot_general3A_236 {offsets = [0, 2048], sizes = [16, 2048], strides = [1, 1]} : vector<16x6144xf32> to vector<16x2048xf32>
    %slice3A_243 = vector.extract_strided_slice %dot_general3A_236 {offsets = [0, 2048], sizes = [16, 2048], strides = [1, 1]} : vector<16x6144xf32> to vector<16x2048xf32>
    %mul3A_244 = arith.mulf %slice3A_242, %slice3A_243 : vector<16x2048xf32>
    %add3A_245 = arith.addf %mul3A_241, %mul3A_244 : vector<16x2048xf32>
    %slice3A_246 = vector.extract_strided_slice %dot_general3A_236 {offsets = [0, 4096], sizes = [16, 2048], strides = [1, 1]} : vector<16x6144xf32> to vector<16x2048xf32>
    %slice3A_247 = vector.extract_strided_slice %dot_general3A_236 {offsets = [0, 4096], sizes = [16, 2048], strides = [1, 1]} : vector<16x6144xf32> to vector<16x2048xf32>
    %mul3A_248 = arith.mulf %slice3A_246, %slice3A_247 : vector<16x2048xf32>
    %add3A_249 = arith.addf %add3A_245, %mul3A_248 : vector<16x2048xf32>
    %sqrt3A_250 = math.sqrt %add3A_249 : vector<16x2048xf32>
    %get3A_251 = arith.constant 6 : index
    %get3A_252 = arith.constant 0 : index
    %get3A_253 = arith.constant 0 : index
    %get3A_254 = vector.load %arg5[%get3A_251, %get3A_252, %get3A_253] : memref<8x1x2048xf32, #tpu.memory_space<vmem>>, vector<1x1x2048xf32>
    %get3A_255 = vector.shape_cast %get3A_254 : vector<1x1x2048xf32> to vector<1x2048xf32>
    %mul3A_256 = vector.broadcast %get3A_255 : vector<1x2048xf32> to vector<16x2048xf32>
    %mul3A_257 = arith.mulf %sqrt3A_250, %mul3A_256 : vector<16x2048xf32>
    %reduce_sum3A_258 = arith.constant dense<0.000000e+00> : vector<16xf32>
    %reduce_sum3A_259 = vector.multi_reduction <add>, %mul3A_257, %reduce_sum3A_258 [1] : vector<16x2048xf32> to vector<16xf32>
    %broadcast_in_dim3A_260 = vector.shape_cast %reduce_sum3A_259 : vector<16xf32> to vector<16x1xf32>
    %add3A_261 = arith.addf %add3A_223, %broadcast_in_dim3A_260 : vector<16x1xf32>
    %mul3A_262 = vector.broadcast %get3A_255 : vector<1x2048xf32> to vector<16x2048xf32>
    %mul3A_263 = arith.mulf %add3A_249, %mul3A_262 : vector<16x2048xf32>
    %reduce_sum3A_264 = arith.constant dense<0.000000e+00> : vector<16xf32>
    %reduce_sum3A_265 = vector.multi_reduction <add>, %mul3A_263, %reduce_sum3A_264 [1] : vector<16x2048xf32> to vector<16xf32>
    %broadcast_in_dim3A_266 = vector.shape_cast %reduce_sum3A_265 : vector<16xf32> to vector<16x1xf32>
    %add3A_267 = arith.addf %add3A_229, %broadcast_in_dim3A_266 : vector<16x1xf32>
    %get3A_268 = arith.constant 7 : index
    %get3A_269 = arith.constant 0 : index
    %get3A_270 = arith.constant 0 : index
    %get3A_271 = vector.load %arg0[%get3A_268, %get3A_269, %get3A_270] : memref<8x16x6144xf32, #tpu.memory_space<vmem>>, vector<1x16x6144xf32>
    %get3A_272 = vector.shape_cast %get3A_271 : vector<1x16x6144xf32> to vector<16x6144xf32>
    %dot_general3A_273 = arith.constant dense<0.000000e+00> : vector<16x6144xf32>
    %dot_general3A_274 = tpu.matmul %get3A_1, %get3A_272, %dot_general3A_273 {dimension_numbers = #tpu.dot_dimension_numbers<[1], [0], [0], [1], [0, 0, 1, 1], [], []>, transpose_lhs_hint = false} : vector<16x16xf32>, vector<16x6144xf32>, vector<16x6144xf32> -> vector<16x6144xf32>
    %dot_general3A_275 = arith.constant dense<0.000000e+00> : vector<16x6144xf32>
    %dot_general3A_276 = tpu.matmul %get3A_4, %get3A_272, %dot_general3A_275 {dimension_numbers = #tpu.dot_dimension_numbers<[1], [0], [0], [1], [0, 0, 1, 1], [], []>, transpose_lhs_hint = false} : vector<16x16xf32>, vector<16x6144xf32>, vector<16x6144xf32> -> vector<16x6144xf32>
    %slice3A_277 = vector.extract_strided_slice %dot_general3A_274 {offsets = [0, 0], sizes = [16, 2048], strides = [1, 1]} : vector<16x6144xf32> to vector<16x2048xf32>
    %slice3A_278 = vector.extract_strided_slice %dot_general3A_274 {offsets = [0, 0], sizes = [16, 2048], strides = [1, 1]} : vector<16x6144xf32> to vector<16x2048xf32>
    %mul3A_279 = arith.mulf %slice3A_277, %slice3A_278 : vector<16x2048xf32>
    %slice3A_280 = vector.extract_strided_slice %dot_general3A_274 {offsets = [0, 2048], sizes = [16, 2048], strides = [1, 1]} : vector<16x6144xf32> to vector<16x2048xf32>
    %slice3A_281 = vector.extract_strided_slice %dot_general3A_274 {offsets = [0, 2048], sizes = [16, 2048], strides = [1, 1]} : vector<16x6144xf32> to vector<16x2048xf32>
    %mul3A_282 = arith.mulf %slice3A_280, %slice3A_281 : vector<16x2048xf32>
    %add3A_283 = arith.addf %mul3A_279, %mul3A_282 : vector<16x2048xf32>
    %slice3A_284 = vector.extract_strided_slice %dot_general3A_274 {offsets = [0, 4096], sizes = [16, 2048], strides = [1, 1]} : vector<16x6144xf32> to vector<16x2048xf32>
    %slice3A_285 = vector.extract_strided_slice %dot_general3A_274 {offsets = [0, 4096], sizes = [16, 2048], strides = [1, 1]} : vector<16x6144xf32> to vector<16x2048xf32>
    %mul3A_286 = arith.mulf %slice3A_284, %slice3A_285 : vector<16x2048xf32>
    %add3A_287 = arith.addf %add3A_283, %mul3A_286 : vector<16x2048xf32>
    %sqrt3A_288 = math.sqrt %add3A_287 : vector<16x2048xf32>
    %get3A_289 = arith.constant 7 : index
    %get3A_290 = arith.constant 0 : index
    %get3A_291 = arith.constant 0 : index
    %get3A_292 = vector.load %arg5[%get3A_289, %get3A_290, %get3A_291] : memref<8x1x2048xf32, #tpu.memory_space<vmem>>, vector<1x1x2048xf32>
    %get3A_293 = vector.shape_cast %get3A_292 : vector<1x1x2048xf32> to vector<1x2048xf32>
    %mul3A_294 = vector.broadcast %get3A_293 : vector<1x2048xf32> to vector<16x2048xf32>
    %mul3A_295 = arith.mulf %sqrt3A_288, %mul3A_294 : vector<16x2048xf32>
    %reduce_sum3A_296 = arith.constant dense<0.000000e+00> : vector<16xf32>
    %reduce_sum3A_297 = vector.multi_reduction <add>, %mul3A_295, %reduce_sum3A_296 [1] : vector<16x2048xf32> to vector<16xf32>
    %broadcast_in_dim3A_298 = vector.shape_cast %reduce_sum3A_297 : vector<16xf32> to vector<16x1xf32>
    %add3A_299 = arith.addf %add3A_261, %broadcast_in_dim3A_298 : vector<16x1xf32>
    %mul3A_300 = vector.broadcast %get3A_293 : vector<1x2048xf32> to vector<16x2048xf32>
    %mul3A_301 = arith.mulf %add3A_287, %mul3A_300 : vector<16x2048xf32>
    %reduce_sum3A_302 = arith.constant dense<0.000000e+00> : vector<16xf32>
    %reduce_sum3A_303 = vector.multi_reduction <add>, %mul3A_301, %reduce_sum3A_302 [1] : vector<16x2048xf32> to vector<16xf32>
    %broadcast_in_dim3A_304 = vector.shape_cast %reduce_sum3A_303 : vector<16xf32> to vector<16x1xf32>
    %add3A_305 = arith.addf %add3A_267, %broadcast_in_dim3A_304 : vector<16x1xf32>
    %mul3A_306 = arith.constant 2.90643607E-6 : f32
    %mul3A_307 = vector.broadcast %mul3A_306 : f32 to vector<16x1xf32>
    %mul3A_308 = arith.mulf %add3A_299, %mul3A_307 : vector<16x1xf32>
    %mul3A_309 = arith.constant 2.90643607E-6 : f32
    %mul3A_310 = vector.broadcast %mul3A_309 : f32 to vector<16x1xf32>
    %mul3A_311 = arith.mulf %add3A_305, %mul3A_310 : vector<16x1xf32>
    %mul3A_312 = arith.mulf %mul3A_308, %mul3A_308 : vector<16x1xf32>
    %sub3A = arith.subf %mul3A_311, %mul3A_312 : vector<16x1xf32>
    %add3A_313 = arith.constant 9.99999974E-6 : f32
    %add3A_314 = vector.broadcast %add3A_313 : f32 to vector<16x1xf32>
    %add3A_315 = arith.addf %sub3A, %add3A_314 : vector<16x1xf32>
    %rsqrt3A = math.rsqrt %add3A_315 : vector<16x1xf32>
    %get3A_316 = arith.constant 0 : index
    %get3A_317 = arith.constant 0 : index
    %get3A_318 = vector.load %arg3[%get3A_316, %get3A_317] : memref<16x1xf32, #tpu.memory_space<vmem>>, vector<16x1xf32>
    %get3A_319 = arith.constant 0 : index
    %get3A_320 = arith.constant 0 : index
    %get3A_321 = vector.load %arg4[%get3A_319, %get3A_320] : memref<16x1xf32, #tpu.memory_space<vmem>>, vector<16x1xf32>
    %sub3A_322 = vector.broadcast %mul3A_308 : vector<16x1xf32> to vector<16x2048xf32>
    %sub3A_323 = arith.subf %sqrt3A, %sub3A_322 : vector<16x2048xf32>
    %mul3A_324 = vector.broadcast %rsqrt3A : vector<16x1xf32> to vector<16x2048xf32>
    %mul3A_325 = arith.mulf %sub3A_323, %mul3A_324 : vector<16x2048xf32>
    %mul3A_326 = vector.broadcast %get3A_318 : vector<16x1xf32> to vector<16x2048xf32>
    %mul3A_327 = arith.mulf %mul3A_325, %mul3A_326 : vector<16x2048xf32>
    %add3A_328 = vector.broadcast %get3A_321 : vector<16x1xf32> to vector<16x2048xf32>
    %add3A_329 = arith.addf %mul3A_327, %add3A_328 : vector<16x2048xf32>
    %div3A = arith.divf %add3A_329, %sqrt3A : vector<16x2048xf32>
    %broadcast_in_dim3A_330 = arith.constant 0.000000e+00 : f32
    %broadcast_in_dim3A_331 = vector.broadcast %broadcast_in_dim3A_330 : f32 to vector<16x2048xf32>
    %broadcast_in_dim3A_332 = arith.constant 0.000000e+00 : f32
    %broadcast_in_dim3A_333 = vector.broadcast %broadcast_in_dim3A_332 : f32 to vector<16x2048xf32>
    %slice3A_334 = vector.extract_strided_slice %dot_general3A_13 {offsets = [0, 0], sizes = [16, 2048], strides = [1, 1]} : vector<16x6144xf32> to vector<16x2048xf32>
    %mul3A_335 = arith.mulf %slice3A_334, %div3A : vector<16x2048xf32>
    %slice3A_336 = vector.extract_strided_slice %dot_general3A_15 {offsets = [0, 0], sizes = [16, 2048], strides = [1, 1]} : vector<16x6144xf32> to vector<16x2048xf32>
    %mul3A_337 = arith.mulf %mul3A_335, %slice3A_336 : vector<16x2048xf32>
    %add3A_338 = arith.addf %broadcast_in_dim3A_331, %mul3A_337 : vector<16x2048xf32>
    %mul3A_339 = arith.mulf %slice3A_336, %slice3A_336 : vector<16x2048xf32>
    %add3A_340 = arith.addf %broadcast_in_dim3A_333, %mul3A_339 : vector<16x2048xf32>
    %slice3A_341 = vector.extract_strided_slice %dot_general3A_13 {offsets = [0, 2048], sizes = [16, 2048], strides = [1, 1]} : vector<16x6144xf32> to vector<16x2048xf32>
    %mul3A_342 = arith.mulf %slice3A_341, %div3A : vector<16x2048xf32>
    %slice3A_343 = vector.extract_strided_slice %dot_general3A_15 {offsets = [0, 2048], sizes = [16, 2048], strides = [1, 1]} : vector<16x6144xf32> to vector<16x2048xf32>
    %mul3A_344 = arith.mulf %mul3A_342, %slice3A_343 : vector<16x2048xf32>
    %add3A_345 = arith.addf %add3A_338, %mul3A_344 : vector<16x2048xf32>
    %mul3A_346 = arith.mulf %slice3A_343, %slice3A_343 : vector<16x2048xf32>
    %add3A_347 = arith.addf %add3A_340, %mul3A_346 : vector<16x2048xf32>
    %slice3A_348 = vector.extract_strided_slice %dot_general3A_13 {offsets = [0, 4096], sizes = [16, 2048], strides = [1, 1]} : vector<16x6144xf32> to vector<16x2048xf32>
    %mul3A_349 = arith.mulf %slice3A_348, %div3A : vector<16x2048xf32>
    %slice3A_350 = vector.extract_strided_slice %dot_general3A_15 {offsets = [0, 4096], sizes = [16, 2048], strides = [1, 1]} : vector<16x6144xf32> to vector<16x2048xf32>
    %mul3A_351 = arith.mulf %mul3A_349, %slice3A_350 : vector<16x2048xf32>
    %add3A_352 = arith.addf %add3A_345, %mul3A_351 : vector<16x2048xf32>
    %mul3A_353 = arith.mulf %slice3A_350, %slice3A_350 : vector<16x2048xf32>
    %add3A_354 = arith.addf %add3A_347, %mul3A_353 : vector<16x2048xf32>
    %ge3A = arith.constant 0.000000e+00 : f32
    %ge3A_355 = vector.broadcast %ge3A : f32 to vector<16x2048xf32>
    %ge3A_356 = arith.cmpf oge, %add3A_352, %ge3A_355 : vector<16x2048xf32>
    %add3A_357 = arith.constant 9.99999997E-7 : f32
    %add3A_358 = vector.broadcast %add3A_357 : f32 to vector<16x2048xf32>
    %add3A_359 = arith.addf %add3A_354, %add3A_358 : vector<16x2048xf32>
    %div3A_360 = arith.divf %add3A_352, %add3A_359 : vector<16x2048xf32>
    %jit3A = arith.constant 0.000000e+00 : f32
    %broadcast_in_dim3A_361 = vector.broadcast %jit3A : f32 to vector<16x2048xf32>
    %select_n3A = arith.select %ge3A_356, %broadcast_in_dim3A_361, %div3A_360 : vector<16x2048xi1>, vector<16x2048xf32>
    %mul3A_362 = arith.mulf %select_n3A, %slice3A_336 : vector<16x2048xf32>
    %sub3A_363 = arith.subf %mul3A_335, %mul3A_362 : vector<16x2048xf32>
    %mul3A_364 = arith.constant 0.0476190485 : f32
    %mul3A_365 = vector.broadcast %mul3A_364 : f32 to vector<16x2048xf32>
    %mul3A_366 = arith.mulf %sub3A_363, %mul3A_365 : vector<16x2048xf32>
    %mul3A_367 = arith.mulf %select_n3A, %slice3A_343 : vector<16x2048xf32>
    %sub3A_368 = arith.subf %mul3A_342, %mul3A_367 : vector<16x2048xf32>
    %mul3A_369 = arith.constant 0.0476190485 : f32
    %mul3A_370 = vector.broadcast %mul3A_369 : f32 to vector<16x2048xf32>
    %mul3A_371 = arith.mulf %sub3A_368, %mul3A_370 : vector<16x2048xf32>
    %mul3A_372 = arith.mulf %select_n3A, %slice3A_350 : vector<16x2048xf32>
    %sub3A_373 = arith.subf %mul3A_349, %mul3A_372 : vector<16x2048xf32>
    %mul3A_374 = arith.constant 0.0476190485 : f32
    %mul3A_375 = vector.broadcast %mul3A_374 : f32 to vector<16x2048xf32>
    %mul3A_376 = arith.mulf %sub3A_373, %mul3A_375 : vector<16x2048xf32>
    %concatenate3A = tpu.concatenate %mul3A_366, %mul3A_371, %mul3A_376 in 0 : vector<16x2048xf32>, vector<16x2048xf32>, vector<16x2048xf32> -> vector<48x2048xf32>
    %broadcast_in_dim3A_377 = arith.constant 0.000000e+00 : f32
    %broadcast_in_dim3A_378 = vector.broadcast %broadcast_in_dim3A_377 : f32 to vector<2048x80xf32>
    %transpose3A = tpu.transpose %concatenate3A, [1, 0] : vector<48x2048xf32> -> vector<2048x48xf32>
    %concatenate3A_379 = tpu.concatenate %transpose3A, %broadcast_in_dim3A_378 in 1 : vector<2048x48xf32>, vector<2048x80xf32> -> vector<2048x128xf32>
    %swap3A = arith.constant 0 : index
    %swap3A_380 = arith.constant 0 : index
    %swap3A_381 = arith.constant 0 : index
    %swap3A_382 = vector.load %arg6[%swap3A, %swap3A_380, %swap3A_381] : memref<8x2048x128xf32, #tpu.memory_space<vmem>>, vector<1x2048x128xf32>
    %swap3A_383 = vector.shape_cast %swap3A_382 : vector<1x2048x128xf32> to vector<2048x128xf32>
    %swap3A_384 = vector.shape_cast %concatenate3A_379 : vector<2048x128xf32> to vector<1x2048x128xf32>
    tpu.vector_store %arg6[%swap3A, %swap3A_380, %swap3A_381], %swap3A_384 {strides = array<i32>} : memref<8x2048x128xf32, #tpu.memory_space<vmem>>, vector<1x2048x128xf32>,
    %sub3A_385 = vector.broadcast %mul3A_308 : vector<16x1xf32> to vector<16x2048xf32>
    %sub3A_386 = arith.subf %sqrt3A_60, %sub3A_385 : vector<16x2048xf32>
    %mul3A_387 = vector.broadcast %rsqrt3A : vector<16x1xf32> to vector<16x2048xf32>
    %mul3A_388 = arith.mulf %sub3A_386, %mul3A_387 : vector<16x2048xf32>
    %mul3A_389 = vector.broadcast %get3A_318 : vector<16x1xf32> to vector<16x2048xf32>
    %mul3A_390 = arith.mulf %mul3A_388, %mul3A_389 : vector<16x2048xf32>
    %add3A_391 = vector.broadcast %get3A_321 : vector<16x1xf32> to vector<16x2048xf32>
    %add3A_392 = arith.addf %mul3A_390, %add3A_391 : vector<16x2048xf32>
    %div3A_393 = arith.divf %add3A_392, %sqrt3A_60 : vector<16x2048xf32>
    %broadcast_in_dim3A_394 = arith.constant 0.000000e+00 : f32
    %broadcast_in_dim3A_395 = vector.broadcast %broadcast_in_dim3A_394 : f32 to vector<16x2048xf32>
    %broadcast_in_dim3A_396 = arith.constant 0.000000e+00 : f32
    %broadcast_in_dim3A_397 = vector.broadcast %broadcast_in_dim3A_396 : f32 to vector<16x2048xf32>
    %slice3A_398 = vector.extract_strided_slice %dot_general3A_46 {offsets = [0, 0], sizes = [16, 2048], strides = [1, 1]} : vector<16x6144xf32> to vector<16x2048xf32>
    %mul3A_399 = arith.mulf %slice3A_398, %div3A_393 : vector<16x2048xf32>
    %slice3A_400 = vector.extract_strided_slice %dot_general3A_48 {offsets = [0, 0], sizes = [16, 2048], strides = [1, 1]} : vector<16x6144xf32> to vector<16x2048xf32>
    %mul3A_401 = arith.mulf %mul3A_399, %slice3A_400 : vector<16x2048xf32>
    %add3A_402 = arith.addf %broadcast_in_dim3A_395, %mul3A_401 : vector<16x2048xf32>
    %mul3A_403 = arith.mulf %slice3A_400, %slice3A_400 : vector<16x2048xf32>
    %add3A_404 = arith.addf %broadcast_in_dim3A_397, %mul3A_403 : vector<16x2048xf32>
    %slice3A_405 = vector.extract_strided_slice %dot_general3A_46 {offsets = [0, 2048], sizes = [16, 2048], strides = [1, 1]} : vector<16x6144xf32> to vector<16x2048xf32>
    %mul3A_406 = arith.mulf %slice3A_405, %div3A_393 : vector<16x2048xf32>
    %slice3A_407 = vector.extract_strided_slice %dot_general3A_48 {offsets = [0, 2048], sizes = [16, 2048], strides = [1, 1]} : vector<16x6144xf32> to vector<16x2048xf32>
    %mul3A_408 = arith.mulf %mul3A_406, %slice3A_407 : vector<16x2048xf32>
    %add3A_409 = arith.addf %add3A_402, %mul3A_408 : vector<16x2048xf32>
    %mul3A_410 = arith.mulf %slice3A_407, %slice3A_407 : vector<16x2048xf32>
    %add3A_411 = arith.addf %add3A_404, %mul3A_410 : vector<16x2048xf32>
    %slice3A_412 = vector.extract_strided_slice %dot_general3A_46 {offsets = [0, 4096], sizes = [16, 2048], strides = [1, 1]} : vector<16x6144xf32> to vector<16x2048xf32>
    %mul3A_413 = arith.mulf %slice3A_412, %div3A_393 : vector<16x2048xf32>
    %slice3A_414 = vector.extract_strided_slice %dot_general3A_48 {offsets = [0, 4096], sizes = [16, 2048], strides = [1, 1]} : vector<16x6144xf32> to vector<16x2048xf32>
    %mul3A_415 = arith.mulf %mul3A_413, %slice3A_414 : vector<16x2048xf32>
    %add3A_416 = arith.addf %add3A_409, %mul3A_415 : vector<16x2048xf32>
    %mul3A_417 = arith.mulf %slice3A_414, %slice3A_414 : vector<16x2048xf32>
    %add3A_418 = arith.addf %add3A_411, %mul3A_417 : vector<16x2048xf32>
    %ge3A_419 = arith.constant 0.000000e+00 : f32
    %ge3A_420 = vector.broadcast %ge3A_419 : f32 to vector<16x2048xf32>
    %ge3A_421 = arith.cmpf oge, %add3A_416, %ge3A_420 : vector<16x2048xf32>
    %add3A_422 = arith.constant 9.99999997E-7 : f32
    %add3A_423 = vector.broadcast %add3A_422 : f32 to vector<16x2048xf32>
    %add3A_424 = arith.addf %add3A_418, %add3A_423 : vector<16x2048xf32>
    %div3A_425 = arith.divf %add3A_416, %add3A_424 : vector<16x2048xf32>
    %jit3A_426 = arith.constant 0.000000e+00 : f32
    %broadcast_in_dim3A_427 = vector.broadcast %jit3A_426 : f32 to vector<16x2048xf32>
    %select_n3A_428 = arith.select %ge3A_421, %broadcast_in_dim3A_427, %div3A_425 : vector<16x2048xi1>, vector<16x2048xf32>
    %mul3A_429 = arith.mulf %select_n3A_428, %slice3A_400 : vector<16x2048xf32>
    %sub3A_430 = arith.subf %mul3A_399, %mul3A_429 : vector<16x2048xf32>
    %mul3A_431 = arith.constant 0.0476190485 : f32
    %mul3A_432 = vector.broadcast %mul3A_431 : f32 to vector<16x2048xf32>
    %mul3A_433 = arith.mulf %sub3A_430, %mul3A_432 : vector<16x2048xf32>
    %mul3A_434 = arith.mulf %select_n3A_428, %slice3A_407 : vector<16x2048xf32>
    %sub3A_435 = arith.subf %mul3A_406, %mul3A_434 : vector<16x2048xf32>
    %mul3A_436 = arith.constant 0.0476190485 : f32
    %mul3A_437 = vector.broadcast %mul3A_436 : f32 to vector<16x2048xf32>
    %mul3A_438 = arith.mulf %sub3A_435, %mul3A_437 : vector<16x2048xf32>
    %mul3A_439 = arith.mulf %select_n3A_428, %slice3A_414 : vector<16x2048xf32>
    %sub3A_440 = arith.subf %mul3A_413, %mul3A_439 : vector<16x2048xf32>
    %mul3A_441 = arith.constant 0.0476190485 : f32
    %mul3A_442 = vector.broadcast %mul3A_441 : f32 to vector<16x2048xf32>
    %mul3A_443 = arith.mulf %sub3A_440, %mul3A_442 : vector<16x2048xf32>
    %concatenate3A_444 = tpu.concatenate %mul3A_433, %mul3A_438, %mul3A_443 in 0 : vector<16x2048xf32>, vector<16x2048xf32>, vector<16x2048xf32> -> vector<48x2048xf32>
    %broadcast_in_dim3A_445 = arith.constant 0.000000e+00 : f32
    %broadcast_in_dim3A_446 = vector.broadcast %broadcast_in_dim3A_445 : f32 to vector<2048x80xf32>
    %transpose3A_447 = tpu.transpose %concatenate3A_444, [1, 0] : vector<48x2048xf32> -> vector<2048x48xf32>
    %concatenate3A_448 = tpu.concatenate %transpose3A_447, %broadcast_in_dim3A_446 in 1 : vector<2048x48xf32>, vector<2048x80xf32> -> vector<2048x128xf32>
    %swap3A_449 = arith.constant 1 : index
    %swap3A_450 = arith.constant 0 : index
    %swap3A_451 = arith.constant 0 : index
    %swap3A_452 = vector.load %arg6[%swap3A_449, %swap3A_450, %swap3A_451] : memref<8x2048x128xf32, #tpu.memory_space<vmem>>, vector<1x2048x128xf32>
    %swap3A_453 = vector.shape_cast %swap3A_452 : vector<1x2048x128xf32> to vector<2048x128xf32>
    %swap3A_454 = vector.shape_cast %concatenate3A_448 : vector<2048x128xf32> to vector<1x2048x128xf32>
    tpu.vector_store %arg6[%swap3A_449, %swap3A_450, %swap3A_451], %swap3A_454 {strides = array<i32>} : memref<8x2048x128xf32, #tpu.memory_space<vmem>>, vector<1x2048x128xf32>,
    %sub3A_455 = vector.broadcast %mul3A_308 : vector<16x1xf32> to vector<16x2048xf32>
    %sub3A_456 = arith.subf %sqrt3A_98, %sub3A_455 : vector<16x2048xf32>
    %mul3A_457 = vector.broadcast %rsqrt3A : vector<16x1xf32> to vector<16x2048xf32>
    %mul3A_458 = arith.mulf %sub3A_456, %mul3A_457 : vector<16x2048xf32>
    %mul3A_459 = vector.broadcast %get3A_318 : vector<16x1xf32> to vector<16x2048xf32>
    %mul3A_460 = arith.mulf %mul3A_458, %mul3A_459 : vector<16x2048xf32>
    %add3A_461 = vector.broadcast %get3A_321 : vector<16x1xf32> to vector<16x2048xf32>
    %add3A_462 = arith.addf %mul3A_460, %add3A_461 : vector<16x2048xf32>
    %div3A_463 = arith.divf %add3A_462, %sqrt3A_98 : vector<16x2048xf32>
    %broadcast_in_dim3A_464 = arith.constant 0.000000e+00 : f32
    %broadcast_in_dim3A_465 = vector.broadcast %broadcast_in_dim3A_464 : f32 to vector<16x2048xf32>
    %broadcast_in_dim3A_466 = arith.constant 0.000000e+00 : f32
    %broadcast_in_dim3A_467 = vector.broadcast %broadcast_in_dim3A_466 : f32 to vector<16x2048xf32>
    %slice3A_468 = vector.extract_strided_slice %dot_general3A_84 {offsets = [0, 0], sizes = [16, 2048], strides = [1, 1]} : vector<16x6144xf32> to vector<16x2048xf32>
    %mul3A_469 = arith.mulf %slice3A_468, %div3A_463 : vector<16x2048xf32>
    %slice3A_470 = vector.extract_strided_slice %dot_general3A_86 {offsets = [0, 0], sizes = [16, 2048], strides = [1, 1]} : vector<16x6144xf32> to vector<16x2048xf32>
    %mul3A_471 = arith.mulf %mul3A_469, %slice3A_470 : vector<16x2048xf32>
    %add3A_472 = arith.addf %broadcast_in_dim3A_465, %mul3A_471 : vector<16x2048xf32>
    %mul3A_473 = arith.mulf %slice3A_470, %slice3A_470 : vector<16x2048xf32>
    %add3A_474 = arith.addf %broadcast_in_dim3A_467, %mul3A_473 : vector<16x2048xf32>
    %slice3A_475 = vector.extract_strided_slice %dot_general3A_84 {offsets = [0, 2048], sizes = [16, 2048], strides = [1, 1]} : vector<16x6144xf32> to vector<16x2048xf32>
    %mul3A_476 = arith.mulf %slice3A_475, %div3A_463 : vector<16x2048xf32>
    %slice3A_477 = vector.extract_strided_slice %dot_general3A_86 {offsets = [0, 2048], sizes = [16, 2048], strides = [1, 1]} : vector<16x6144xf32> to vector<16x2048xf32>
    %mul3A_478 = arith.mulf %mul3A_476, %slice3A_477 : vector<16x2048xf32>
    %add3A_479 = arith.addf %add3A_472, %mul3A_478 : vector<16x2048xf32>
    %mul3A_480 = arith.mulf %slice3A_477, %slice3A_477 : vector<16x2048xf32>
    %add3A_481 = arith.addf %add3A_474, %mul3A_480 : vector<16x2048xf32>
    %slice3A_482 = vector.extract_strided_slice %dot_general3A_84 {offsets = [0, 4096], sizes = [16, 2048], strides = [1, 1]} : vector<16x6144xf32> to vector<16x2048xf32>
    %mul3A_483 = arith.mulf %slice3A_482, %div3A_463 : vector<16x2048xf32>
    %slice3A_484 = vector.extract_strided_slice %dot_general3A_86 {offsets = [0, 4096], sizes = [16, 2048], strides = [1, 1]} : vector<16x6144xf32> to vector<16x2048xf32>
    %mul3A_485 = arith.mulf %mul3A_483, %slice3A_484 : vector<16x2048xf32>
    %add3A_486 = arith.addf %add3A_479, %mul3A_485 : vector<16x2048xf32>
    %mul3A_487 = arith.mulf %slice3A_484, %slice3A_484 : vector<16x2048xf32>
    %add3A_488 = arith.addf %add3A_481, %mul3A_487 : vector<16x2048xf32>
    %ge3A_489 = arith.constant 0.000000e+00 : f32
    %ge3A_490 = vector.broadcast %ge3A_489 : f32 to vector<16x2048xf32>
    %ge3A_491 = arith.cmpf oge, %add3A_486, %ge3A_490 : vector<16x2048xf32>
    %add3A_492 = arith.constant 9.99999997E-7 : f32
    %add3A_493 = vector.broadcast %add3A_492 : f32 to vector<16x2048xf32>
    %add3A_494 = arith.addf %add3A_488, %add3A_493 : vector<16x2048xf32>
    %div3A_495 = arith.divf %add3A_486, %add3A_494 : vector<16x2048xf32>
    %jit3A_496 = arith.constant 0.000000e+00 : f32
    %broadcast_in_dim3A_497 = vector.broadcast %jit3A_496 : f32 to vector<16x2048xf32>
    %select_n3A_498 = arith.select %ge3A_491, %broadcast_in_dim3A_497, %div3A_495 : vector<16x2048xi1>, vector<16x2048xf32>
    %mul3A_499 = arith.mulf %select_n3A_498, %slice3A_470 : vector<16x2048xf32>
    %sub3A_500 = arith.subf %mul3A_469, %mul3A_499 : vector<16x2048xf32>
    %mul3A_501 = arith.constant 0.0476190485 : f32
    %mul3A_502 = vector.broadcast %mul3A_501 : f32 to vector<16x2048xf32>
    %mul3A_503 = arith.mulf %sub3A_500, %mul3A_502 : vector<16x2048xf32>
    %mul3A_504 = arith.mulf %select_n3A_498, %slice3A_477 : vector<16x2048xf32>
    %sub3A_505 = arith.subf %mul3A_476, %mul3A_504 : vector<16x2048xf32>
    %mul3A_506 = arith.constant 0.0476190485 : f32
    %mul3A_507 = vector.broadcast %mul3A_506 : f32 to vector<16x2048xf32>
    %mul3A_508 = arith.mulf %sub3A_505, %mul3A_507 : vector<16x2048xf32>
    %mul3A_509 = arith.mulf %select_n3A_498, %slice3A_484 : vector<16x2048xf32>
    %sub3A_510 = arith.subf %mul3A_483, %mul3A_509 : vector<16x2048xf32>
    %mul3A_511 = arith.constant 0.0476190485 : f32
    %mul3A_512 = vector.broadcast %mul3A_511 : f32 to vector<16x2048xf32>
    %mul3A_513 = arith.mulf %sub3A_510, %mul3A_512 : vector<16x2048xf32>
    %concatenate3A_514 = tpu.concatenate %mul3A_503, %mul3A_508, %mul3A_513 in 0 : vector<16x2048xf32>, vector<16x2048xf32>, vector<16x2048xf32> -> vector<48x2048xf32>
    %broadcast_in_dim3A_515 = arith.constant 0.000000e+00 : f32
    %broadcast_in_dim3A_516 = vector.broadcast %broadcast_in_dim3A_515 : f32 to vector<2048x80xf32>
    %transpose3A_517 = tpu.transpose %concatenate3A_514, [1, 0] : vector<48x2048xf32> -> vector<2048x48xf32>
    %concatenate3A_518 = tpu.concatenate %transpose3A_517, %broadcast_in_dim3A_516 in 1 : vector<2048x48xf32>, vector<2048x80xf32> -> vector<2048x128xf32>
    %swap3A_519 = arith.constant 2 : index
    %swap3A_520 = arith.constant 0 : index
    %swap3A_521 = arith.constant 0 : index
    %swap3A_522 = vector.load %arg6[%swap3A_519, %swap3A_520, %swap3A_521] : memref<8x2048x128xf32, #tpu.memory_space<vmem>>, vector<1x2048x128xf32>
    %swap3A_523 = vector.shape_cast %swap3A_522 : vector<1x2048x128xf32> to vector<2048x128xf32>
    %swap3A_524 = vector.shape_cast %concatenate3A_518 : vector<2048x128xf32> to vector<1x2048x128xf32>
    tpu.vector_store %arg6[%swap3A_519, %swap3A_520, %swap3A_521], %swap3A_524 {strides = array<i32>} : memref<8x2048x128xf32, #tpu.memory_space<vmem>>, vector<1x2048x128xf32>,
    %sub3A_525 = vector.broadcast %mul3A_308 : vector<16x1xf32> to vector<16x2048xf32>
    %sub3A_526 = arith.subf %sqrt3A_136, %sub3A_525 : vector<16x2048xf32>
    %mul3A_527 = vector.broadcast %rsqrt3A : vector<16x1xf32> to vector<16x2048xf32>
    %mul3A_528 = arith.mulf %sub3A_526, %mul3A_527 : vector<16x2048xf32>
    %mul3A_529 = vector.broadcast %get3A_318 : vector<16x1xf32> to vector<16x2048xf32>
    %mul3A_530 = arith.mulf %mul3A_528, %mul3A_529 : vector<16x2048xf32>
    %add3A_531 = vector.broadcast %get3A_321 : vector<16x1xf32> to vector<16x2048xf32>
    %add3A_532 = arith.addf %mul3A_530, %add3A_531 : vector<16x2048xf32>
    %div3A_533 = arith.divf %add3A_532, %sqrt3A_136 : vector<16x2048xf32>
    %broadcast_in_dim3A_534 = arith.constant 0.000000e+00 : f32
    %broadcast_in_dim3A_535 = vector.broadcast %broadcast_in_dim3A_534 : f32 to vector<16x2048xf32>
    %broadcast_in_dim3A_536 = arith.constant 0.000000e+00 : f32
    %broadcast_in_dim3A_537 = vector.broadcast %broadcast_in_dim3A_536 : f32 to vector<16x2048xf32>
    %slice3A_538 = vector.extract_strided_slice %dot_general3A_122 {offsets = [0, 0], sizes = [16, 2048], strides = [1, 1]} : vector<16x6144xf32> to vector<16x2048xf32>
    %mul3A_539 = arith.mulf %slice3A_538, %div3A_533 : vector<16x2048xf32>
    %slice3A_540 = vector.extract_strided_slice %dot_general3A_124 {offsets = [0, 0], sizes = [16, 2048], strides = [1, 1]} : vector<16x6144xf32> to vector<16x2048xf32>
    %mul3A_541 = arith.mulf %mul3A_539, %slice3A_540 : vector<16x2048xf32>
    %add3A_542 = arith.addf %broadcast_in_dim3A_535, %mul3A_541 : vector<16x2048xf32>
    %mul3A_543 = arith.mulf %slice3A_540, %slice3A_540 : vector<16x2048xf32>
    %add3A_544 = arith.addf %broadcast_in_dim3A_537, %mul3A_543 : vector<16x2048xf32>
    %slice3A_545 = vector.extract_strided_slice %dot_general3A_122 {offsets = [0, 2048], sizes = [16, 2048], strides = [1, 1]} : vector<16x6144xf32> to vector<16x2048xf32>
    %mul3A_546 = arith.mulf %slice3A_545, %div3A_533 : vector<16x2048xf32>
    %slice3A_547 = vector.extract_strided_slice %dot_general3A_124 {offsets = [0, 2048], sizes = [16, 2048], strides = [1, 1]} : vector<16x6144xf32> to vector<16x2048xf32>
    %mul3A_548 = arith.mulf %mul3A_546, %slice3A_547 : vector<16x2048xf32>
    %add3A_549 = arith.addf %add3A_542, %mul3A_548 : vector<16x2048xf32>
    %mul3A_550 = arith.mulf %slice3A_547, %slice3A_547 : vector<16x2048xf32>
    %add3A_551 = arith.addf %add3A_544, %mul3A_550 : vector<16x2048xf32>
    %slice3A_552 = vector.extract_strided_slice %dot_general3A_122 {offsets = [0, 4096], sizes = [16, 2048], strides = [1, 1]} : vector<16x6144xf32> to vector<16x2048xf32>
    %mul3A_553 = arith.mulf %slice3A_552, %div3A_533 : vector<16x2048xf32>
    %slice3A_554 = vector.extract_strided_slice %dot_general3A_124 {offsets = [0, 4096], sizes = [16, 2048], strides = [1, 1]} : vector<16x6144xf32> to vector<16x2048xf32>
    %mul3A_555 = arith.mulf %mul3A_553, %slice3A_554 : vector<16x2048xf32>
    %add3A_556 = arith.addf %add3A_549, %mul3A_555 : vector<16x2048xf32>
    %mul3A_557 = arith.mulf %slice3A_554, %slice3A_554 : vector<16x2048xf32>
    %add3A_558 = arith.addf %add3A_551, %mul3A_557 : vector<16x2048xf32>
    %ge3A_559 = arith.constant 0.000000e+00 : f32
    %ge3A_560 = vector.broadcast %ge3A_559 : f32 to vector<16x2048xf32>
    %ge3A_561 = arith.cmpf oge, %add3A_556, %ge3A_560 : vector<16x2048xf32>
    %add3A_562 = arith.constant 9.99999997E-7 : f32
    %add3A_563 = vector.broadcast %add3A_562 : f32 to vector<16x2048xf32>
    %add3A_564 = arith.addf %add3A_558, %add3A_563 : vector<16x2048xf32>
    %div3A_565 = arith.divf %add3A_556, %add3A_564 : vector<16x2048xf32>
    %jit3A_566 = arith.constant 0.000000e+00 : f32
    %broadcast_in_dim3A_567 = vector.broadcast %jit3A_566 : f32 to vector<16x2048xf32>
    %select_n3A_568 = arith.select %ge3A_561, %broadcast_in_dim3A_567, %div3A_565 : vector<16x2048xi1>, vector<16x2048xf32>
    %mul3A_569 = arith.mulf %select_n3A_568, %slice3A_540 : vector<16x2048xf32>
    %sub3A_570 = arith.subf %mul3A_539, %mul3A_569 : vector<16x2048xf32>
    %mul3A_571 = arith.constant 0.0476190485 : f32
    %mul3A_572 = vector.broadcast %mul3A_571 : f32 to vector<16x2048xf32>
    %mul3A_573 = arith.mulf %sub3A_570, %mul3A_572 : vector<16x2048xf32>
    %mul3A_574 = arith.mulf %select_n3A_568, %slice3A_547 : vector<16x2048xf32>
    %sub3A_575 = arith.subf %mul3A_546, %mul3A_574 : vector<16x2048xf32>
    %mul3A_576 = arith.constant 0.0476190485 : f32
    %mul3A_577 = vector.broadcast %mul3A_576 : f32 to vector<16x2048xf32>
    %mul3A_578 = arith.mulf %sub3A_575, %mul3A_577 : vector<16x2048xf32>
    %mul3A_579 = arith.mulf %select_n3A_568, %slice3A_554 : vector<16x2048xf32>
    %sub3A_580 = arith.subf %mul3A_553, %mul3A_579 : vector<16x2048xf32>
    %mul3A_581 = arith.constant 0.0476190485 : f32
    %mul3A_582 = vector.broadcast %mul3A_581 : f32 to vector<16x2048xf32>
    %mul3A_583 = arith.mulf %sub3A_580, %mul3A_582 : vector<16x2048xf32>
    %concatenate3A_584 = tpu.concatenate %mul3A_573, %mul3A_578, %mul3A_583 in 0 : vector<16x2048xf32>, vector<16x2048xf32>, vector<16x2048xf32> -> vector<48x2048xf32>
    %broadcast_in_dim3A_585 = arith.constant 0.000000e+00 : f32
    %broadcast_in_dim3A_586 = vector.broadcast %broadcast_in_dim3A_585 : f32 to vector<2048x80xf32>
    %transpose3A_587 = tpu.transpose %concatenate3A_584, [1, 0] : vector<48x2048xf32> -> vector<2048x48xf32>
    %concatenate3A_588 = tpu.concatenate %transpose3A_587, %broadcast_in_dim3A_586 in 1 : vector<2048x48xf32>, vector<2048x80xf32> -> vector<2048x128xf32>
    %swap3A_589 = arith.constant 3 : index
    %swap3A_590 = arith.constant 0 : index
    %swap3A_591 = arith.constant 0 : index
    %swap3A_592 = vector.load %arg6[%swap3A_589, %swap3A_590, %swap3A_591] : memref<8x2048x128xf32, #tpu.memory_space<vmem>>, vector<1x2048x128xf32>
    %swap3A_593 = vector.shape_cast %swap3A_592 : vector<1x2048x128xf32> to vector<2048x128xf32>
    %swap3A_594 = vector.shape_cast %concatenate3A_588 : vector<2048x128xf32> to vector<1x2048x128xf32>
    tpu.vector_store %arg6[%swap3A_589, %swap3A_590, %swap3A_591], %swap3A_594 {strides = array<i32>} : memref<8x2048x128xf32, #tpu.memory_space<vmem>>, vector<1x2048x128xf32>,
    %sub3A_595 = vector.broadcast %mul3A_308 : vector<16x1xf32> to vector<16x2048xf32>
    %sub3A_596 = arith.subf %sqrt3A_174, %sub3A_595 : vector<16x2048xf32>
    %mul3A_597 = vector.broadcast %rsqrt3A : vector<16x1xf32> to vector<16x2048xf32>
    %mul3A_598 = arith.mulf %sub3A_596, %mul3A_597 : vector<16x2048xf32>
    %mul3A_599 = vector.broadcast %get3A_318 : vector<16x1xf32> to vector<16x2048xf32>
    %mul3A_600 = arith.mulf %mul3A_598, %mul3A_599 : vector<16x2048xf32>
    %add3A_601 = vector.broadcast %get3A_321 : vector<16x1xf32> to vector<16x2048xf32>
    %add3A_602 = arith.addf %mul3A_600, %add3A_601 : vector<16x2048xf32>
    %div3A_603 = arith.divf %add3A_602, %sqrt3A_174 : vector<16x2048xf32>
    %broadcast_in_dim3A_604 = arith.constant 0.000000e+00 : f32
    %broadcast_in_dim3A_605 = vector.broadcast %broadcast_in_dim3A_604 : f32 to vector<16x2048xf32>
    %broadcast_in_dim3A_606 = arith.constant 0.000000e+00 : f32
    %broadcast_in_dim3A_607 = vector.broadcast %broadcast_in_dim3A_606 : f32 to vector<16x2048xf32>
    %slice3A_608 = vector.extract_strided_slice %dot_general3A_160 {offsets = [0, 0], sizes = [16, 2048], strides = [1, 1]} : vector<16x6144xf32> to vector<16x2048xf32>
    %mul3A_609 = arith.mulf %slice3A_608, %div3A_603 : vector<16x2048xf32>
    %slice3A_610 = vector.extract_strided_slice %dot_general3A_162 {offsets = [0, 0], sizes = [16, 2048], strides = [1, 1]} : vector<16x6144xf32> to vector<16x2048xf32>
    %mul3A_611 = arith.mulf %mul3A_609, %slice3A_610 : vector<16x2048xf32>
    %add3A_612 = arith.addf %broadcast_in_dim3A_605, %mul3A_611 : vector<16x2048xf32>
    %mul3A_613 = arith.mulf %slice3A_610, %slice3A_610 : vector<16x2048xf32>
    %add3A_614 = arith.addf %broadcast_in_dim3A_607, %mul3A_613 : vector<16x2048xf32>
    %slice3A_615 = vector.extract_strided_slice %dot_general3A_160 {offsets = [0, 2048], sizes = [16, 2048], strides = [1, 1]} : vector<16x6144xf32> to vector<16x2048xf32>
    %mul3A_616 = arith.mulf %slice3A_615, %div3A_603 : vector<16x2048xf32>
    %slice3A_617 = vector.extract_strided_slice %dot_general3A_162 {offsets = [0, 2048], sizes = [16, 2048], strides = [1, 1]} : vector<16x6144xf32> to vector<16x2048xf32>
    %mul3A_618 = arith.mulf %mul3A_616, %slice3A_617 : vector<16x2048xf32>
    %add3A_619 = arith.addf %add3A_612, %mul3A_618 : vector<16x2048xf32>
    %mul3A_620 = arith.mulf %slice3A_617, %slice3A_617 : vector<16x2048xf32>
    %add3A_621 = arith.addf %add3A_614, %mul3A_620 : vector<16x2048xf32>
    %slice3A_622 = vector.extract_strided_slice %dot_general3A_160 {offsets = [0, 4096], sizes = [16, 2048], strides = [1, 1]} : vector<16x6144xf32> to vector<16x2048xf32>
    %mul3A_623 = arith.mulf %slice3A_622, %div3A_603 : vector<16x2048xf32>
    %slice3A_624 = vector.extract_strided_slice %dot_general3A_162 {offsets = [0, 4096], sizes = [16, 2048], strides = [1, 1]} : vector<16x6144xf32> to vector<16x2048xf32>
    %mul3A_625 = arith.mulf %mul3A_623, %slice3A_624 : vector<16x2048xf32>
    %add3A_626 = arith.addf %add3A_619, %mul3A_625 : vector<16x2048xf32>
    %mul3A_627 = arith.mulf %slice3A_624, %slice3A_624 : vector<16x2048xf32>
    %add3A_628 = arith.addf %add3A_621, %mul3A_627 : vector<16x2048xf32>
    %ge3A_629 = arith.constant 0.000000e+00 : f32
    %ge3A_630 = vector.broadcast %ge3A_629 : f32 to vector<16x2048xf32>
    %ge3A_631 = arith.cmpf oge, %add3A_626, %ge3A_630 : vector<16x2048xf32>
    %add3A_632 = arith.constant 9.99999997E-7 : f32
    %add3A_633 = vector.broadcast %add3A_632 : f32 to vector<16x2048xf32>
    %add3A_634 = arith.addf %add3A_628, %add3A_633 : vector<16x2048xf32>
    %div3A_635 = arith.divf %add3A_626, %add3A_634 : vector<16x2048xf32>
    %jit3A_636 = arith.constant 0.000000e+00 : f32
    %broadcast_in_dim3A_637 = vector.broadcast %jit3A_636 : f32 to vector<16x2048xf32>
    %select_n3A_638 = arith.select %ge3A_631, %broadcast_in_dim3A_637, %div3A_635 : vector<16x2048xi1>, vector<16x2048xf32>
    %mul3A_639 = arith.mulf %select_n3A_638, %slice3A_610 : vector<16x2048xf32>
    %sub3A_640 = arith.subf %mul3A_609, %mul3A_639 : vector<16x2048xf32>
    %mul3A_641 = arith.constant 0.0476190485 : f32
    %mul3A_642 = vector.broadcast %mul3A_641 : f32 to vector<16x2048xf32>
    %mul3A_643 = arith.mulf %sub3A_640, %mul3A_642 : vector<16x2048xf32>
    %mul3A_644 = arith.mulf %select_n3A_638, %slice3A_617 : vector<16x2048xf32>
    %sub3A_645 = arith.subf %mul3A_616, %mul3A_644 : vector<16x2048xf32>
    %mul3A_646 = arith.constant 0.0476190485 : f32
    %mul3A_647 = vector.broadcast %mul3A_646 : f32 to vector<16x2048xf32>
    %mul3A_648 = arith.mulf %sub3A_645, %mul3A_647 : vector<16x2048xf32>
    %mul3A_649 = arith.mulf %select_n3A_638, %slice3A_624 : vector<16x2048xf32>
    %sub3A_650 = arith.subf %mul3A_623, %mul3A_649 : vector<16x2048xf32>
    %mul3A_651 = arith.constant 0.0476190485 : f32
    %mul3A_652 = vector.broadcast %mul3A_651 : f32 to vector<16x2048xf32>
    %mul3A_653 = arith.mulf %sub3A_650, %mul3A_652 : vector<16x2048xf32>
    %concatenate3A_654 = tpu.concatenate %mul3A_643, %mul3A_648, %mul3A_653 in 0 : vector<16x2048xf32>, vector<16x2048xf32>, vector<16x2048xf32> -> vector<48x2048xf32>
    %broadcast_in_dim3A_655 = arith.constant 0.000000e+00 : f32
    %broadcast_in_dim3A_656 = vector.broadcast %broadcast_in_dim3A_655 : f32 to vector<2048x80xf32>
    %transpose3A_657 = tpu.transpose %concatenate3A_654, [1, 0] : vector<48x2048xf32> -> vector<2048x48xf32>
    %concatenate3A_658 = tpu.concatenate %transpose3A_657, %broadcast_in_dim3A_656 in 1 : vector<2048x48xf32>, vector<2048x80xf32> -> vector<2048x128xf32>
    %swap3A_659 = arith.constant 4 : index
    %swap3A_660 = arith.constant 0 : index
    %swap3A_661 = arith.constant 0 : index
    %swap3A_662 = vector.load %arg6[%swap3A_659, %swap3A_660, %swap3A_661] : memref<8x2048x128xf32, #tpu.memory_space<vmem>>, vector<1x2048x128xf32>
    %swap3A_663 = vector.shape_cast %swap3A_662 : vector<1x2048x128xf32> to vector<2048x128xf32>
    %swap3A_664 = vector.shape_cast %concatenate3A_658 : vector<2048x128xf32> to vector<1x2048x128xf32>
    tpu.vector_store %arg6[%swap3A_659, %swap3A_660, %swap3A_661], %swap3A_664 {strides = array<i32>} : memref<8x2048x128xf32, #tpu.memory_space<vmem>>, vector<1x2048x128xf32>,
    %sub3A_665 = vector.broadcast %mul3A_308 : vector<16x1xf32> to vector<16x2048xf32>
    %sub3A_666 = arith.subf %sqrt3A_212, %sub3A_665 : vector<16x2048xf32>
    %mul3A_667 = vector.broadcast %rsqrt3A : vector<16x1xf32> to vector<16x2048xf32>
    %mul3A_668 = arith.mulf %sub3A_666, %mul3A_667 : vector<16x2048xf32>
    %mul3A_669 = vector.broadcast %get3A_318 : vector<16x1xf32> to vector<16x2048xf32>
    %mul3A_670 = arith.mulf %mul3A_668, %mul3A_669 : vector<16x2048xf32>
    %add3A_671 = vector.broadcast %get3A_321 : vector<16x1xf32> to vector<16x2048xf32>
    %add3A_672 = arith.addf %mul3A_670, %add3A_671 : vector<16x2048xf32>
    %div3A_673 = arith.divf %add3A_672, %sqrt3A_212 : vector<16x2048xf32>
    %broadcast_in_dim3A_674 = arith.constant 0.000000e+00 : f32
    %broadcast_in_dim3A_675 = vector.broadcast %broadcast_in_dim3A_674 : f32 to vector<16x2048xf32>
    %broadcast_in_dim3A_676 = arith.constant 0.000000e+00 : f32
    %broadcast_in_dim3A_677 = vector.broadcast %broadcast_in_dim3A_676 : f32 to vector<16x2048xf32>
    %slice3A_678 = vector.extract_strided_slice %dot_general3A_198 {offsets = [0, 0], sizes = [16, 2048], strides = [1, 1]} : vector<16x6144xf32> to vector<16x2048xf32>
    %mul3A_679 = arith.mulf %slice3A_678, %div3A_673 : vector<16x2048xf32>
    %slice3A_680 = vector.extract_strided_slice %dot_general3A_200 {offsets = [0, 0], sizes = [16, 2048], strides = [1, 1]} : vector<16x6144xf32> to vector<16x2048xf32>
    %mul3A_681 = arith.mulf %mul3A_679, %slice3A_680 : vector<16x2048xf32>
    %add3A_682 = arith.addf %broadcast_in_dim3A_675, %mul3A_681 : vector<16x2048xf32>
    %mul3A_683 = arith.mulf %slice3A_680, %slice3A_680 : vector<16x2048xf32>
    %add3A_684 = arith.addf %broadcast_in_dim3A_677, %mul3A_683 : vector<16x2048xf32>
    %slice3A_685 = vector.extract_strided_slice %dot_general3A_198 {offsets = [0, 2048], sizes = [16, 2048], strides = [1, 1]} : vector<16x6144xf32> to vector<16x2048xf32>
    %mul3A_686 = arith.mulf %slice3A_685, %div3A_673 : vector<16x2048xf32>
    %slice3A_687 = vector.extract_strided_slice %dot_general3A_200 {offsets = [0, 2048], sizes = [16, 2048], strides = [1, 1]} : vector<16x6144xf32> to vector<16x2048xf32>
    %mul3A_688 = arith.mulf %mul3A_686, %slice3A_687 : vector<16x2048xf32>
    %add3A_689 = arith.addf %add3A_682, %mul3A_688 : vector<16x2048xf32>
    %mul3A_690 = arith.mulf %slice3A_687, %slice3A_687 : vector<16x2048xf32>
    %add3A_691 = arith.addf %add3A_684, %mul3A_690 : vector<16x2048xf32>
    %slice3A_692 = vector.extract_strided_slice %dot_general3A_198 {offsets = [0, 4096], sizes = [16, 2048], strides = [1, 1]} : vector<16x6144xf32> to vector<16x2048xf32>
    %mul3A_693 = arith.mulf %slice3A_692, %div3A_673 : vector<16x2048xf32>
    %slice3A_694 = vector.extract_strided_slice %dot_general3A_200 {offsets = [0, 4096], sizes = [16, 2048], strides = [1, 1]} : vector<16x6144xf32> to vector<16x2048xf32>
    %mul3A_695 = arith.mulf %mul3A_693, %slice3A_694 : vector<16x2048xf32>
    %add3A_696 = arith.addf %add3A_689, %mul3A_695 : vector<16x2048xf32>
    %mul3A_697 = arith.mulf %slice3A_694, %slice3A_694 : vector<16x2048xf32>
    %add3A_698 = arith.addf %add3A_691, %mul3A_697 : vector<16x2048xf32>
    %ge3A_699 = arith.constant 0.000000e+00 : f32
    %ge3A_700 = vector.broadcast %ge3A_699 : f32 to vector<16x2048xf32>
    %ge3A_701 = arith.cmpf oge, %add3A_696, %ge3A_700 : vector<16x2048xf32>
    %add3A_702 = arith.constant 9.99999997E-7 : f32
    %add3A_703 = vector.broadcast %add3A_702 : f32 to vector<16x2048xf32>
    %add3A_704 = arith.addf %add3A_698, %add3A_703 : vector<16x2048xf32>
    %div3A_705 = arith.divf %add3A_696, %add3A_704 : vector<16x2048xf32>
    %jit3A_706 = arith.constant 0.000000e+00 : f32
    %broadcast_in_dim3A_707 = vector.broadcast %jit3A_706 : f32 to vector<16x2048xf32>
    %select_n3A_708 = arith.select %ge3A_701, %broadcast_in_dim3A_707, %div3A_705 : vector<16x2048xi1>, vector<16x2048xf32>
    %mul3A_709 = arith.mulf %select_n3A_708, %slice3A_680 : vector<16x2048xf32>
    %sub3A_710 = arith.subf %mul3A_679, %mul3A_709 : vector<16x2048xf32>
    %mul3A_711 = arith.constant 0.0476190485 : f32
    %mul3A_712 = vector.broadcast %mul3A_711 : f32 to vector<16x2048xf32>
    %mul3A_713 = arith.mulf %sub3A_710, %mul3A_712 : vector<16x2048xf32>
    %mul3A_714 = arith.mulf %select_n3A_708, %slice3A_687 : vector<16x2048xf32>
    %sub3A_715 = arith.subf %mul3A_686, %mul3A_714 : vector<16x2048xf32>
    %mul3A_716 = arith.constant 0.0476190485 : f32
    %mul3A_717 = vector.broadcast %mul3A_716 : f32 to vector<16x2048xf32>
    %mul3A_718 = arith.mulf %sub3A_715, %mul3A_717 : vector<16x2048xf32>
    %mul3A_719 = arith.mulf %select_n3A_708, %slice3A_694 : vector<16x2048xf32>
    %sub3A_720 = arith.subf %mul3A_693, %mul3A_719 : vector<16x2048xf32>
    %mul3A_721 = arith.constant 0.0476190485 : f32
    %mul3A_722 = vector.broadcast %mul3A_721 : f32 to vector<16x2048xf32>
    %mul3A_723 = arith.mulf %sub3A_720, %mul3A_722 : vector<16x2048xf32>
    %concatenate3A_724 = tpu.concatenate %mul3A_713, %mul3A_718, %mul3A_723 in 0 : vector<16x2048xf32>, vector<16x2048xf32>, vector<16x2048xf32> -> vector<48x2048xf32>
    %broadcast_in_dim3A_725 = arith.constant 0.000000e+00 : f32
    %broadcast_in_dim3A_726 = vector.broadcast %broadcast_in_dim3A_725 : f32 to vector<2048x80xf32>
    %transpose3A_727 = tpu.transpose %concatenate3A_724, [1, 0] : vector<48x2048xf32> -> vector<2048x48xf32>
    %concatenate3A_728 = tpu.concatenate %transpose3A_727, %broadcast_in_dim3A_726 in 1 : vector<2048x48xf32>, vector<2048x80xf32> -> vector<2048x128xf32>
    %swap3A_729 = arith.constant 5 : index
    %swap3A_730 = arith.constant 0 : index
    %swap3A_731 = arith.constant 0 : index
    %swap3A_732 = vector.load %arg6[%swap3A_729, %swap3A_730, %swap3A_731] : memref<8x2048x128xf32, #tpu.memory_space<vmem>>, vector<1x2048x128xf32>
    %swap3A_733 = vector.shape_cast %swap3A_732 : vector<1x2048x128xf32> to vector<2048x128xf32>
    %swap3A_734 = vector.shape_cast %concatenate3A_728 : vector<2048x128xf32> to vector<1x2048x128xf32>
    tpu.vector_store %arg6[%swap3A_729, %swap3A_730, %swap3A_731], %swap3A_734 {strides = array<i32>} : memref<8x2048x128xf32, #tpu.memory_space<vmem>>, vector<1x2048x128xf32>,
    %sub3A_735 = vector.broadcast %mul3A_308 : vector<16x1xf32> to vector<16x2048xf32>
    %sub3A_736 = arith.subf %sqrt3A_250, %sub3A_735 : vector<16x2048xf32>
    %mul3A_737 = vector.broadcast %rsqrt3A : vector<16x1xf32> to vector<16x2048xf32>
    %mul3A_738 = arith.mulf %sub3A_736, %mul3A_737 : vector<16x2048xf32>
    %mul3A_739 = vector.broadcast %get3A_318 : vector<16x1xf32> to vector<16x2048xf32>
    %mul3A_740 = arith.mulf %mul3A_738, %mul3A_739 : vector<16x2048xf32>
    %add3A_741 = vector.broadcast %get3A_321 : vector<16x1xf32> to vector<16x2048xf32>
    %add3A_742 = arith.addf %mul3A_740, %add3A_741 : vector<16x2048xf32>
    %div3A_743 = arith.divf %add3A_742, %sqrt3A_250 : vector<16x2048xf32>
    %broadcast_in_dim3A_744 = arith.constant 0.000000e+00 : f32
    %broadcast_in_dim3A_745 = vector.broadcast %broadcast_in_dim3A_744 : f32 to vector<16x2048xf32>
    %broadcast_in_dim3A_746 = arith.constant 0.000000e+00 : f32
    %broadcast_in_dim3A_747 = vector.broadcast %broadcast_in_dim3A_746 : f32 to vector<16x2048xf32>
    %slice3A_748 = vector.extract_strided_slice %dot_general3A_236 {offsets = [0, 0], sizes = [16, 2048], strides = [1, 1]} : vector<16x6144xf32> to vector<16x2048xf32>
    %mul3A_749 = arith.mulf %slice3A_748, %div3A_743 : vector<16x2048xf32>
    %slice3A_750 = vector.extract_strided_slice %dot_general3A_238 {offsets = [0, 0], sizes = [16, 2048], strides = [1, 1]} : vector<16x6144xf32> to vector<16x2048xf32>
    %mul3A_751 = arith.mulf %mul3A_749, %slice3A_750 : vector<16x2048xf32>
    %add3A_752 = arith.addf %broadcast_in_dim3A_745, %mul3A_751 : vector<16x2048xf32>
    %mul3A_753 = arith.mulf %slice3A_750, %slice3A_750 : vector<16x2048xf32>
    %add3A_754 = arith.addf %broadcast_in_dim3A_747, %mul3A_753 : vector<16x2048xf32>
    %slice3A_755 = vector.extract_strided_slice %dot_general3A_236 {offsets = [0, 2048], sizes = [16, 2048], strides = [1, 1]} : vector<16x6144xf32> to vector<16x2048xf32>
    %mul3A_756 = arith.mulf %slice3A_755, %div3A_743 : vector<16x2048xf32>
    %slice3A_757 = vector.extract_strided_slice %dot_general3A_238 {offsets = [0, 2048], sizes = [16, 2048], strides = [1, 1]} : vector<16x6144xf32> to vector<16x2048xf32>
    %mul3A_758 = arith.mulf %mul3A_756, %slice3A_757 : vector<16x2048xf32>
    %add3A_759 = arith.addf %add3A_752, %mul3A_758 : vector<16x2048xf32>
    %mul3A_760 = arith.mulf %slice3A_757, %slice3A_757 : vector<16x2048xf32>
    %add3A_761 = arith.addf %add3A_754, %mul3A_760 : vector<16x2048xf32>
    %slice3A_762 = vector.extract_strided_slice %dot_general3A_236 {offsets = [0, 4096], sizes = [16, 2048], strides = [1, 1]} : vector<16x6144xf32> to vector<16x2048xf32>
    %mul3A_763 = arith.mulf %slice3A_762, %div3A_743 : vector<16x2048xf32>
    %slice3A_764 = vector.extract_strided_slice %dot_general3A_238 {offsets = [0, 4096], sizes = [16, 2048], strides = [1, 1]} : vector<16x6144xf32> to vector<16x2048xf32>
    %mul3A_765 = arith.mulf %mul3A_763, %slice3A_764 : vector<16x2048xf32>
    %add3A_766 = arith.addf %add3A_759, %mul3A_765 : vector<16x2048xf32>
    %mul3A_767 = arith.mulf %slice3A_764, %slice3A_764 : vector<16x2048xf32>
    %add3A_768 = arith.addf %add3A_761, %mul3A_767 : vector<16x2048xf32>
    %ge3A_769 = arith.constant 0.000000e+00 : f32
    %ge3A_770 = vector.broadcast %ge3A_769 : f32 to vector<16x2048xf32>
    %ge3A_771 = arith.cmpf oge, %add3A_766, %ge3A_770 : vector<16x2048xf32>
    %add3A_772 = arith.constant 9.99999997E-7 : f32
    %add3A_773 = vector.broadcast %add3A_772 : f32 to vector<16x2048xf32>
    %add3A_774 = arith.addf %add3A_768, %add3A_773 : vector<16x2048xf32>
    %div3A_775 = arith.divf %add3A_766, %add3A_774 : vector<16x2048xf32>
    %jit3A_776 = arith.constant 0.000000e+00 : f32
    %broadcast_in_dim3A_777 = vector.broadcast %jit3A_776 : f32 to vector<16x2048xf32>
    %select_n3A_778 = arith.select %ge3A_771, %broadcast_in_dim3A_777, %div3A_775 : vector<16x2048xi1>, vector<16x2048xf32>
    %mul3A_779 = arith.mulf %select_n3A_778, %slice3A_750 : vector<16x2048xf32>
    %sub3A_780 = arith.subf %mul3A_749, %mul3A_779 : vector<16x2048xf32>
    %mul3A_781 = arith.constant 0.0476190485 : f32
    %mul3A_782 = vector.broadcast %mul3A_781 : f32 to vector<16x2048xf32>
    %mul3A_783 = arith.mulf %sub3A_780, %mul3A_782 : vector<16x2048xf32>
    %mul3A_784 = arith.mulf %select_n3A_778, %slice3A_757 : vector<16x2048xf32>
    %sub3A_785 = arith.subf %mul3A_756, %mul3A_784 : vector<16x2048xf32>
    %mul3A_786 = arith.constant 0.0476190485 : f32
    %mul3A_787 = vector.broadcast %mul3A_786 : f32 to vector<16x2048xf32>
    %mul3A_788 = arith.mulf %sub3A_785, %mul3A_787 : vector<16x2048xf32>
    %mul3A_789 = arith.mulf %select_n3A_778, %slice3A_764 : vector<16x2048xf32>
    %sub3A_790 = arith.subf %mul3A_763, %mul3A_789 : vector<16x2048xf32>
    %mul3A_791 = arith.constant 0.0476190485 : f32
    %mul3A_792 = vector.broadcast %mul3A_791 : f32 to vector<16x2048xf32>
    %mul3A_793 = arith.mulf %sub3A_790, %mul3A_792 : vector<16x2048xf32>
    %concatenate3A_794 = tpu.concatenate %mul3A_783, %mul3A_788, %mul3A_793 in 0 : vector<16x2048xf32>, vector<16x2048xf32>, vector<16x2048xf32> -> vector<48x2048xf32>
    %broadcast_in_dim3A_795 = arith.constant 0.000000e+00 : f32
    %broadcast_in_dim3A_796 = vector.broadcast %broadcast_in_dim3A_795 : f32 to vector<2048x80xf32>
    %transpose3A_797 = tpu.transpose %concatenate3A_794, [1, 0] : vector<48x2048xf32> -> vector<2048x48xf32>
    %concatenate3A_798 = tpu.concatenate %transpose3A_797, %broadcast_in_dim3A_796 in 1 : vector<2048x48xf32>, vector<2048x80xf32> -> vector<2048x128xf32>
    %swap3A_799 = arith.constant 6 : index
    %swap3A_800 = arith.constant 0 : index
    %swap3A_801 = arith.constant 0 : index
    %swap3A_802 = vector.load %arg6[%swap3A_799, %swap3A_800, %swap3A_801] : memref<8x2048x128xf32, #tpu.memory_space<vmem>>, vector<1x2048x128xf32>
    %swap3A_803 = vector.shape_cast %swap3A_802 : vector<1x2048x128xf32> to vector<2048x128xf32>
    %swap3A_804 = vector.shape_cast %concatenate3A_798 : vector<2048x128xf32> to vector<1x2048x128xf32>
    tpu.vector_store %arg6[%swap3A_799, %swap3A_800, %swap3A_801], %swap3A_804 {strides = array<i32>} : memref<8x2048x128xf32, #tpu.memory_space<vmem>>, vector<1x2048x128xf32>,
    %sub3A_805 = vector.broadcast %mul3A_308 : vector<16x1xf32> to vector<16x2048xf32>
    %sub3A_806 = arith.subf %sqrt3A_288, %sub3A_805 : vector<16x2048xf32>
    %mul3A_807 = vector.broadcast %rsqrt3A : vector<16x1xf32> to vector<16x2048xf32>
    %mul3A_808 = arith.mulf %sub3A_806, %mul3A_807 : vector<16x2048xf32>
    %mul3A_809 = vector.broadcast %get3A_318 : vector<16x1xf32> to vector<16x2048xf32>
    %mul3A_810 = arith.mulf %mul3A_808, %mul3A_809 : vector<16x2048xf32>
    %add3A_811 = vector.broadcast %get3A_321 : vector<16x1xf32> to vector<16x2048xf32>
    %add3A_812 = arith.addf %mul3A_810, %add3A_811 : vector<16x2048xf32>
    %div3A_813 = arith.divf %add3A_812, %sqrt3A_288 : vector<16x2048xf32>
    %broadcast_in_dim3A_814 = arith.constant 0.000000e+00 : f32
    %broadcast_in_dim3A_815 = vector.broadcast %broadcast_in_dim3A_814 : f32 to vector<16x2048xf32>
    %broadcast_in_dim3A_816 = arith.constant 0.000000e+00 : f32
    %broadcast_in_dim3A_817 = vector.broadcast %broadcast_in_dim3A_816 : f32 to vector<16x2048xf32>
    %slice3A_818 = vector.extract_strided_slice %dot_general3A_274 {offsets = [0, 0], sizes = [16, 2048], strides = [1, 1]} : vector<16x6144xf32> to vector<16x2048xf32>
    %mul3A_819 = arith.mulf %slice3A_818, %div3A_813 : vector<16x2048xf32>
    %slice3A_820 = vector.extract_strided_slice %dot_general3A_276 {offsets = [0, 0], sizes = [16, 2048], strides = [1, 1]} : vector<16x6144xf32> to vector<16x2048xf32>
    %mul3A_821 = arith.mulf %mul3A_819, %slice3A_820 : vector<16x2048xf32>
    %add3A_822 = arith.addf %broadcast_in_dim3A_815, %mul3A_821 : vector<16x2048xf32>
    %mul3A_823 = arith.mulf %slice3A_820, %slice3A_820 : vector<16x2048xf32>
    %add3A_824 = arith.addf %broadcast_in_dim3A_817, %mul3A_823 : vector<16x2048xf32>
    %slice3A_825 = vector.extract_strided_slice %dot_general3A_274 {offsets = [0, 2048], sizes = [16, 2048], strides = [1, 1]} : vector<16x6144xf32> to vector<16x2048xf32>
    %mul3A_826 = arith.mulf %slice3A_825, %div3A_813 : vector<16x2048xf32>
    %slice3A_827 = vector.extract_strided_slice %dot_general3A_276 {offsets = [0, 2048], sizes = [16, 2048], strides = [1, 1]} : vector<16x6144xf32> to vector<16x2048xf32>
    %mul3A_828 = arith.mulf %mul3A_826, %slice3A_827 : vector<16x2048xf32>
    %add3A_829 = arith.addf %add3A_822, %mul3A_828 : vector<16x2048xf32>
    %mul3A_830 = arith.mulf %slice3A_827, %slice3A_827 : vector<16x2048xf32>
    %add3A_831 = arith.addf %add3A_824, %mul3A_830 : vector<16x2048xf32>
    %slice3A_832 = vector.extract_strided_slice %dot_general3A_274 {offsets = [0, 4096], sizes = [16, 2048], strides = [1, 1]} : vector<16x6144xf32> to vector<16x2048xf32>
    %mul3A_833 = arith.mulf %slice3A_832, %div3A_813 : vector<16x2048xf32>
    %slice3A_834 = vector.extract_strided_slice %dot_general3A_276 {offsets = [0, 4096], sizes = [16, 2048], strides = [1, 1]} : vector<16x6144xf32> to vector<16x2048xf32>
    %mul3A_835 = arith.mulf %mul3A_833, %slice3A_834 : vector<16x2048xf32>
    %add3A_836 = arith.addf %add3A_829, %mul3A_835 : vector<16x2048xf32>
    %mul3A_837 = arith.mulf %slice3A_834, %slice3A_834 : vector<16x2048xf32>
    %add3A_838 = arith.addf %add3A_831, %mul3A_837 : vector<16x2048xf32>
    %ge3A_839 = arith.constant 0.000000e+00 : f32
    %ge3A_840 = vector.broadcast %ge3A_839 : f32 to vector<16x2048xf32>
    %ge3A_841 = arith.cmpf oge, %add3A_836, %ge3A_840 : vector<16x2048xf32>
    %add3A_842 = arith.constant 9.99999997E-7 : f32
    %add3A_843 = vector.broadcast %add3A_842 : f32 to vector<16x2048xf32>
    %add3A_844 = arith.addf %add3A_838, %add3A_843 : vector<16x2048xf32>
    %div3A_845 = arith.divf %add3A_836, %add3A_844 : vector<16x2048xf32>
    %jit3A_846 = arith.constant 0.000000e+00 : f32
    %broadcast_in_dim3A_847 = vector.broadcast %jit3A_846 : f32 to vector<16x2048xf32>
    %select_n3A_848 = arith.select %ge3A_841, %broadcast_in_dim3A_847, %div3A_845 : vector<16x2048xi1>, vector<16x2048xf32>
    %mul3A_849 = arith.mulf %select_n3A_848, %slice3A_820 : vector<16x2048xf32>
    %sub3A_850 = arith.subf %mul3A_819, %mul3A_849 : vector<16x2048xf32>
    %mul3A_851 = arith.constant 0.0476190485 : f32
    %mul3A_852 = vector.broadcast %mul3A_851 : f32 to vector<16x2048xf32>
    %mul3A_853 = arith.mulf %sub3A_850, %mul3A_852 : vector<16x2048xf32>
    %mul3A_854 = arith.mulf %select_n3A_848, %slice3A_827 : vector<16x2048xf32>
    %sub3A_855 = arith.subf %mul3A_826, %mul3A_854 : vector<16x2048xf32>
    %mul3A_856 = arith.constant 0.0476190485 : f32
    %mul3A_857 = vector.broadcast %mul3A_856 : f32 to vector<16x2048xf32>
    %mul3A_858 = arith.mulf %sub3A_855, %mul3A_857 : vector<16x2048xf32>
    %mul3A_859 = arith.mulf %select_n3A_848, %slice3A_834 : vector<16x2048xf32>
    %sub3A_860 = arith.subf %mul3A_833, %mul3A_859 : vector<16x2048xf32>
    %mul3A_861 = arith.constant 0.0476190485 : f32
    %mul3A_862 = vector.broadcast %mul3A_861 : f32 to vector<16x2048xf32>
    %mul3A_863 = arith.mulf %sub3A_860, %mul3A_862 : vector<16x2048xf32>
    %concatenate3A_864 = tpu.concatenate %mul3A_853, %mul3A_858, %mul3A_863 in 0 : vector<16x2048xf32>, vector<16x2048xf32>, vector<16x2048xf32> -> vector<48x2048xf32>
    %broadcast_in_dim3A_865 = arith.constant 0.000000e+00 : f32
    %broadcast_in_dim3A_866 = vector.broadcast %broadcast_in_dim3A_865 : f32 to vector<2048x80xf32>
    %transpose3A_867 = tpu.transpose %concatenate3A_864, [1, 0] : vector<48x2048xf32> -> vector<2048x48xf32>
    %concatenate3A_868 = tpu.concatenate %transpose3A_867, %broadcast_in_dim3A_866 in 1 : vector<2048x48xf32>, vector<2048x80xf32> -> vector<2048x128xf32>
    %swap3A_869 = arith.constant 7 : index
    %swap3A_870 = arith.constant 0 : index
    %swap3A_871 = arith.constant 0 : index
    %swap3A_872 = vector.load %arg6[%swap3A_869, %swap3A_870, %swap3A_871] : memref<8x2048x128xf32, #tpu.memory_space<vmem>>, vector<1x2048x128xf32>
    %swap3A_873 = vector.shape_cast %swap3A_872 : vector<1x2048x128xf32> to vector<2048x128xf32>
    %swap3A_874 = vector.shape_cast %concatenate3A_868 : vector<2048x128xf32> to vector<1x2048x128xf32>
    tpu.vector_store %arg6[%swap3A_869, %swap3A_870, %swap3A_871], %swap3A_874 {strides = array<i32>} : memref<8x2048x128xf32, #tpu.memory_space<vmem>>, vector<1x2048x128xf32>,
    return
  }
}

</mosaic_0001>

<sc_bundles>
// kernel: kernel.5.cloned.1.call-start
scs
__scs_entry_jumppad:
0x0: {  	(pc) =	sbr.rel $0x88, $3  }
0x1: {  	(tag) =	ssettag $0x0;
	lr =	simm.s32 $0x1  }
0x2: {  	[smem:$0x3F9C] =	sst lr;
	_ =	strace $0xD0000000  }
0x3: {  	_ = 	snop  }
0x4: {  	_ = 	snop  }
0x5: {  	_ = 	snop  }
0x6: {  	_ = 	snop  }
0x7: {  	_ = 	snop  }
__scs_overlays_trampoline_lowered:
0x8: {  	[smem:$0x3FAB] =	sst s0  }
0x9: {  	[smem:$0x3FAC] =	sst s1  }
0xa: {  	[smem:$0x3FAD] =	sst s2  }
0xb: {  	[smem:$0x3FAE] =	sst s3  }
0xc: {  	[smem:$0x3FAF] =	sst s4  }
0xd: {  	[smem:$0x3FB0] =	sst s5  }
0xe: {  	[smem:$0x3FB1] =	sst s6  }
0xf: {  	[smem:$0x3FB2] =	sst s7  }
0x10: {  	[smem:$0x3FB3] =	sst s8  }
0x11: {  	[smem:$0x3FB4] =	sst s9;
	s0 =	simm.s32 @!p0 $0x0  }
0x12: {  	s1 =	sld [smem:$0x3F9A];
	s0 =	simm.s32 @p0 $0x1  }
0x13: {  	[smem:$0x3FB5] =	sst s0;
	s0 =	simm.s32 @!p1 $0x0  }
0x14: {  	s2 =	sld [smem:$0x3F99];
	s0 =	simm.s32 @p1 $0x1  }
0x15: {  	[smem:$0x3FB6] =	sst s0;
	s0 =	simm.s32 @!p2 $0x0  }
0x16: {  	s3 =	sld [smem:$0x3FDB];
	s0 =	simm.s32 @p2 $0x1  }
0x17: {  	s4 =	simm.s32 $0x1BF5;
	[smem:$0x3FB8] =	sst s0  }
0x18: {  	s0 =	sld [smem:$0x3F9B];
	_ =	swait.ge [sflag:s4], $0x0  }
0x19: {  	s7 =	sld [smem:$0x3F9C]  }
0x1a: {  	s8 =	sadd.s32 $0xFFFFE003, lr  }
0x1b: {  	s9 =	sadd.s32 $0xFFFFFEF7, lr;
	s5 =	simm.s32 $0xFFFFFFFF;
	p2 =	slt.u32 s8, $0xFFFFF086  }
0x1c: {  	p1 =	slt.u32 s9, $0xF7A;
	s5 =	simm.s32 @!p2 $0x0  }
0x1d: {  	s5 =	simm.s32 @p1 $0x1;
	p0 =	seq.s32 s7, s2  }
0x1e: {  	s7 =	smul.u32 @!p0 $0xF7A, s2;
	p2 =	seq.s32 @!p0 s5, $0x0  }
0x1f: {  	s9 =	smul.u32 $0xF7A, s1;
	s8 =	simm.s32 @!p0 $0x1BF5;
	p2 =	por !p2, p0  }
0x20: {  	[sflag:s8] =	ssyncset.s32 @!p0 $0xFFFFF086;
	s6 =	sadd.s32 @!p0 s3, s7;
	s7 =	simm.s32 @!p0 $0x108  }
0x21: {  	s3 =	sadd.s32 s3, s9;
	s6 =	sadd.s32 @!p0 $0x88, s6;
	s7 =	simm.s32 @p2 $0x1082  }
0x22: {  	[simem:s7], [sflag:s8] =	dma.local @!p0 [hbm:s6], $0xF7A  }
0x23: {  	s9 =	sor.u32 $0xD0000000, s2;
	s6 =	simm.s32 $0x108;
	_ =	swait.ge @!p0 [sflag:s8], $0x0  }
0x24: {  	s3 =	sadd.s32 $0x88, s3;
	s6 =	simm.s32 @!p1 $0x1082;
	[sflag:s4] =	ssyncset.s32 $0xFFFFF086  }
0x25: {  	[simem:s6], [sflag:s4] =	dma.local [hbm:s3], $0xF7A  }
0x26: {  	[smem:$0x3F9C] =	sst s1;
	(tag) =	ssettag s2;
	_ =	strace s9  }
0x27: {  	s1 =	sld [smem:$0x3FAC]  }
0x28: {  	s2 =	sld [smem:$0x3FAD]  }
0x29: {  	s4 =	sld [smem:$0x3FAF]  }
0x2a: {  	p0 =	seq.s32 s5, $0x0;
	s5 =	sld [smem:$0x3FB0]  }
0x2b: {  	s6 =	sld [smem:$0x3FB1]  }
0x2c: {  	s7 =	sld [smem:$0x3FB2]  }
0x2d: {  	s3 =	simm.s32 $0x108;
	s8 =	sld [smem:$0x3FB3]  }
0x2e: {  	s3 =	simm.s32 @!p0 $0x1082;
	s9 =	sld [smem:$0x3FB4]  }
0x2f: {  	lr =	sadd.s32 s0, s3;
	s0 =	sld [smem:$0x3FAB]  }
0x30: {  	s3 =	sld [smem:$0x3FAE]  }
0x31: {  	[smem:$0x3FB7] =	sst s10  }
0x32: {  	s10 =	sld [smem:$0x3FB5];
	_ =	sdelay $0x3  }
0x33: {  	p0 =	seq.s32 s10, $0x1;
	s10 =	sld [smem:$0x3FB7];
	_ =	sdelay $0x3  }
0x34: {  	[smem:$0x3FB7] =	sst s10  }
0x35: {  	s10 =	sld [smem:$0x3FB6];
	_ =	sdelay $0x3  }
0x36: {  	p1 =	seq.s32 s10, $0x1;
	s10 =	sld [smem:$0x3FB7];
	_ =	sdelay $0x3  }
0x37: {  	[smem:$0x3FB7] =	sst s10  }
0x38: {  	s10 =	sld [smem:$0x3FB8]  }
0x39: {  	_ = 	snop;
	(pc) =	sbr.ind lr, $3  }
0x3a: {  	_ = 	snop  }
0x3b: {  	_ = 	snop  }
0x3c: {  	p2 =	seq.s32 s10, $0x1;
	s10 =	sld [smem:$0x3FB7]  }
0x3d: {  	_ =	shalt  }
0x3e: {  	_ =	shalt  }
0x3f: {  	_ =	shalt  }
0x40: {  	_ =	shalt  }
0x41: {  	_ =	shalt  }
0x42: {  	_ =	shalt  }
0x43: {  	_ =	shalt  }
0x44: {  	_ =	shalt  }
0x45: {  	_ =	shalt  }
0x46: {  	_ =	shalt  }
0x47: {  	_ =	shalt  }
0x48: {  	_ =	shalt  }
0x49: {  	_ =	shalt  }
0x4a: {  	_ =	shalt  }
0x4b: {  	_ =	shalt  }
0x4c: {  	_ =	shalt  }
0x4d: {  	_ =	shalt  }
0x4e: {  	_ =	shalt  }
0x4f: {  	_ =	shalt  }
0x50: {  	_ =	shalt  }
0x51: {  	_ =	shalt  }
0x52: {  	_ =	shalt  }
0x53: {  	_ =	shalt  }
0x54: {  	_ =	shalt  }
0x55: {  	_ =	shalt  }
0x56: {  	_ =	shalt  }
0x57: {  	_ =	shalt  }
0x58: {  	_ =	shalt  }
0x59: {  	_ =	shalt  }
0x5a: {  	_ =	shalt  }
0x5b: {  	_ =	shalt  }
0x5c: {  	_ =	shalt  }
0x5d: {  	_ =	shalt  }
0x5e: {  	_ =	shalt  }
0x5f: {  	_ =	shalt  }
0x60: {  	_ =	shalt  }
0x61: {  	_ =	shalt  }
0x62: {  	_ =	shalt  }
0x63: {  	_ =	shalt  }
0x64: {  	_ =	shalt  }
0x65: {  	_ =	shalt  }
0x66: {  	_ =	shalt  }
0x67: {  	_ =	shalt  }
0x68: {  	_ =	shalt  }
0x69: {  	_ =	shalt  }
0x6a: {  	_ =	shalt  }
0x6b: {  	_ =	shalt  }
0x6c: {  	_ =	shalt  }
0x6d: {  	_ =	shalt  }
0x6e: {  	_ =	shalt  }
0x6f: {  	_ =	shalt  }
0x70: {  	_ =	shalt  }
0x71: {  	_ =	shalt  }
0x72: {  	_ =	shalt  }
0x73: {  	_ =	shalt  }
0x74: {  	_ =	shalt  }
0x75: {  	_ =	shalt  }
0x76: {  	_ =	shalt  }
0x77: {  	_ =	shalt  }
0x78: {  	_ =	shalt  }
0x79: {  	_ =	shalt  }
0x7a: {  	_ =	shalt  }
0x7b: {  	_ =	shalt  }
0x7c: {  	_ =	shalt  }
0x7d: {  	_ =	shalt  }
0x7e: {  	_ =	shalt  }
0x7f: {  	_ =	shalt  }
0x80: {  	_ =	shalt  }
0x81: {  	_ =	shalt  }
0x82: {  	_ =	shalt  }
0x83: {  	_ =	shalt  }
0x84: {  	_ =	shalt  }
0x85: {  	_ =	shalt  }
0x86: {  	_ =	shalt  }
0x87: {  	_ =	shalt  }
.Lfunc_end0:
.L_simem_size_0:
called_computation_lowered:
.L_overlay_start_0:
0x88: {  	s2 =	sld [smem:$0x3FD9]  }
0x89: {  	s3 =	sld [smem:$0x3FFE];
	_ =	sdelay $0x1  }
0x8a: {  	s1 =	srdreg.scid  }
0x8b: {  	s0 =	sand.u32 $0x1, s1  }
0x8c: {  	s17 =	sshll.u32 s0, $0xA;
	s2 =	sadd.s32 s3, s2  }
0x8d: {  	s2 =	sadd.s32 s2, s17  }
0x8e: {  	[smem:$0x3FC3] =	sst s2  }
0x8f: {  	_ = 	snop  }
0x90: {  	s2 =	sld [smem:$0x3FD0];
	(tm) =	ssettm $0x1  }
0x91: {  	s18 =	sld [smem:$0x3FFB];
	_ =	sdelay $0x3  }
0x92: {  	_ =	strace s18  }
0x93: {  	s3 =	sld [smem:$0x3FFC];
	_ =	sdelay $0x3  }
0x94: {  	_ =	strace s3  }
0x95: {  	s3 =	sld [smem:$0x3FFD];
	_ =	sdelay $0x3  }
0x96: {  	_ =	strace s3  }
0x97: {  	_ =	strace $0x8FFFFFFF  }
0x98: {  	s19 =	sld [smem:$0x3FDB];
	_ =	sdelay $0x1  }
0x99: {  	s4 =	simm.s32 $_scs_section_size  }
0x9a: {  	s5 =	simm.s32 $_size__tile_overlayer_lowered;
	s6 =	simm.s32 $_tile_overlayer_lowered  }
0x9b: {  	s22 =	simm.s32 $0x1BFF;
	s21 =	sshll.u32 s6, $0x1;
	s3 =	sadd.s32 s4, s19  }
0x9c: {  	s7 =	simm.s32 $0x0;
	s20 =	sshll.u32 s5, $0x1;
	s5 =	sadd.s32 s21, s3  }
0x9d: {  	[timem:s7], [sflag:s22] =	dma.local [hbm:s5], s20  }
0x9e: {  	_ =	swait.ge [sflag:s22], s20  }
0x9f: {  	s4 =	ssub.s32 $0x0, s20;
	[sflag:s22] =	ssyncset.done $0x0  }
0xa0: {  	[sflag:s22] =	ssyncadd.s32 s4;
	_ =	sdelay $0x1  }
0xa1: {  	s23 =	simm.s32 $0x1B8B  }
0xa2: {  	_ =	swait.ge [sflag:s23], $0x1  }
0xa3: {  	[sflag:s23] =	ssyncset.done $0x0  }
0xa4: {  	s25 =	simm.s32 $0x1B8E;
	s24 =	sld [smem:$0x3FFE];
	[sflag:s23] =	ssyncadd.s32 $0xFFFFFFFF  }
0xa5: {  	s26 =	simm.s32 $execute0_lowered;
	[smem:$0x3FD2] =	sst s25  }
0xa6: {  	s5 =	sshll.u32 s26, $0x1;
	_ =	strace $0x80000046;
	[dreg:$0x1] =	wrdreg $0xFFFFFFFF  }
0xa7: {  	s28 =	simm.s32 $_size_execute0_lowered;
	s3 =	sadd.s32 s3, s5;
	[dreg:$0x0] =	wrdreg $0x0  }
0xa8: {  	s5 =	sshll.u32 s28, $0x1;
	[dreg:$0x2] =	wrdreg s3  }
0xa9: {  	[dreg:$0x3] =	wrdreg s5  }
0xaa: {  	[dreg:$0x4] =	wrdreg $0xC0  }
0xab: {  	_ =	task [dreg:s7], $0x5FFFF  }
0xac: {  	[dreg:$0x1] =	wrdreg $0xFFFFFFFF  }
0xad: {  	[dreg:$0x0] =	wrdreg $0x60  }
0xae: {  	[dreg:$0x2] =	wrdreg s24  }
0xaf: {  	[dreg:$0x3] =	wrdreg s2  }
0xb0: {  	[dreg:$0x4] =	wrdreg $0x9  }
0xb1: {  	_ =	task.clear_ibuf [dreg:s7], $0x5FFFF;
	_ =	strace $0x90000046  }
0xb2: {  	s29 =	simm.s32 $0x9;
	_ =	strace $0x80000048  }
0xb3: {  	_ =	swait.ge [sflag:s29], $0x1  }
0xb4: {  	[sflag:s29] =	ssyncadd.s32 $0xFFFFFFFF  }
0xb5: {  	_ =	strace $0x90000048  }
0xb6: {  	_ =	sfence  }
0xb7: {  	s30 =	sld [smem:$0x0];
	_ =	sdelay $0x2  }
0xb8: {  	s31 =	sshll.u32 s1, $0xD;
	s1 =	sshrl.u32 s1, $0x2  }
0xb9: {  	s3 =	sand.u32 $0x4000, s31;
	s1 =	sadd.s32 s1, s30  }
0xba: {  	s0 =	sor.u32 s3, s0;
	s1 =	sshll.u32 s1, $0x11  }
0xbb: {  	s0 =	sor.u32 s1, s0  }
0xbc: {  	s0 =	sadd.s32 $0x8F2B, s0  }
0xbd: {  	[sflag:s0] =	ssyncadd.remote.s32 $0x1  }
0xbe: {  	_ =	sfence.sel $0xFFFF  }
0xbf: {  	[dreg:$0x0] =	wrdreg $0xFFFFFFFF;
	(pc) =	sbr.abs _section_cstart, $3  }
0xc0: {  	[dreg:$0x1] =	wrdreg $0xFFFFFFFF  }
0xc1: {  	_ =	task.clear_ibuf [dreg:s7], $0x2FFFF;
	_ =	strace $0x9FFFFFFF  }
0xc2: {  	(tm) =	ssettm $0x7FFFFFFF  }
0xc3: {  	_ =	shalt  }
tec
execute0_lowered:
.L_overlay_start_1:
0x0: {  	(tag) =	ssettag $0x1  }
0x1: {  	s4 =	rddreg [dreg:$0x0]  }
0x2: {  	s5 =	rddreg [dreg:$0x1]  }
0x3: {  	s0 =	rddreg [dreg:$0x2]  }
0x4: {  	s3 =	srdreg.scid;
	s1 =	stileid.u32  }
0x5: {  	s2 =	simm.s32 $0x0;
	s11 =	simm.s32 $0x6A00;
	s12 =	simm.s32 $0x100  }
0x6: {  	s13 =	simm.s32 $0xAA00;
	s14 =	simm.s32 $0x180;
	s15 =	simm.s32 $0xEA00  }
0x7: {  	s16 =	simm.s32 $0x200;
	s17 =	simm.s32 $0x280;
	s18 =	simm.s32 $0x300  }
0x8: {  	s19 =	simm.s32 $0x380;
	s20 =	simm.s32 $0x1;
	s21 =	simm.s32 $0x0  }
0x9: {  	s6 =	sand.u32 $0x1, s3;
	s29 =	sshll.u32 s1, $0x1;
	[smem:$0x7FF] =	sst s2  }
0xa: {  	s30 =	sshrl.u32 s1, $0x2;
	s3 =	sadd.s32 $0x1200, s4;
	s7 =	sor.u32 s6, s29  }
0xb: {  	_ =	strace $0x80000047;
	s8 =	smul.u32 $0x15000, s30;
	s6 =	ssub.s32 $0x2, s6  }
0xc: {  	s9 =	sshll.u32 s7, $0x7;
	s7 =	sshll.u32 s7, $0xD;
	s10 =	sshrl.u32 s6, $0x1  }
0xd: {  	s9 =	sand.u32 $0x380, s9;
	s7 =	sadd.s32 s7, s4;
	s6 =	ssub.s32 s6, s10  }
0xe: {  	s10 =	simm.s32 $0x2A00;
	s8 =	sor.u32 s8, s9;
	s6 =	smax.u32 s6, $0x1  }
0xf: {  	s9 =	simm.s32 $0x2;
	s31 =	sshrl.u32 s8, $0x3;
	s8 =	simm.s32 $0x400  }
0x10: {  	s4 =	sadd.s32 s5, s31;
	s5 =	sadd.s32 $0x41200, s7;
	s7 =	simm.s32 $0x80  }
.LBB2_1:
0x11: {  	[tilespmem:s2], [sflag:$0x2] =	stream.strided.gather [hbm4b:s4+s7], $0x2A00, s8, s7, $0x38;
	[tilespmem:$0x12A00] =	vst v63  }
0x12: {  	_ =	swait.ge [sflag:s9], $0x2A00  }
0x13: {  	[sflag:s9] =	ssyncset.done $0x0  }
0x14: {  	[sflag:s9] =	ssyncadd.s32 $0xFFFFD600  }
0x15: {  	[tilespmem:s10], [sflag:$0x2] =	stream.indirect.gather [hbm4b:s3+s7], $0x80, s2, s7, $0xb8;
	[tilespmem:$0x12A00] =	vst v63  }
0x16: {  	_ =	swait.ge [sflag:s9], $0x4000  }
0x17: {  	[sflag:s9] =	ssyncset.done $0x0  }
0x18: {  	[sflag:s9] =	ssyncadd.s32 $0xFFFFC000  }
0x19: {  	[tilespmem:s11], [sflag:$0x2] =	stream.indirect.gather [hbm4b:s3+s7], $0x80, s7, s7, $0xb8;
	[tilespmem:$0x12A00] =	vst v63  }
0x1a: {  	_ =	swait.ge [sflag:s9], $0x4000  }
0x1b: {  	[sflag:s9] =	ssyncset.done $0x0  }
0x1c: {  	[sflag:s9] =	ssyncadd.s32 $0xFFFFC000  }
0x1d: {  	[tilespmem:s13], [sflag:$0x2] =	stream.indirect.gather [hbm4b:s3+s7], $0x80, s12, s7, $0xb8;
	[tilespmem:$0x12A00] =	vst v63  }
0x1e: {  	_ =	swait.ge [sflag:s9], $0x4000  }
0x1f: {  	[sflag:s9] =	ssyncset.done $0x0  }
0x20: {  	[sflag:s9] =	ssyncadd.s32 $0xFFFFC000  }
0x21: {  	[tilespmem:s15], [sflag:$0x2] =	stream.indirect.gather [hbm4b:s3+s7], $0x80, s14, s7, $0xb8;
	[tilespmem:$0x12A00] =	vst v63  }
0x22: {  	_ =	swait.ge [sflag:s9], $0x4000  }
0x23: {  	[sflag:s9] =	ssyncset.done $0x0  }
0x24: {  	[sflag:s9] =	ssyncadd.s32 $0xFFFFC000  }
0x25: {  	[tilespmem:s10], [sflag:$0x1] =	stream.indirect.gather.add.f32 [hbm:s3], $0x80, s16, s7, $0xb8;
	[tilespmem:$0x12A00] =	vst v63  }
0x26: {  	_ = 	snop  }
0x27: {  	[tilespmem:s11], [sflag:$0x1] =	stream.indirect.gather.add.f32 [hbm:s3], $0x80, s17, s7, $0xb8;
	[tilespmem:$0x12A00] =	vst v63  }
0x28: {  	_ = 	snop  }
0x29: {  	[tilespmem:s13], [sflag:$0x1] =	stream.indirect.gather.add.f32 [hbm:s3], $0x80, s18, s7, $0xb8;
	[tilespmem:$0x12A00] =	vst v63  }
0x2a: {  	_ = 	snop  }
0x2b: {  	[tilespmem:s15], [sflag:$0x1] =	stream.indirect.gather.add.f32 [hbm:s3], $0x80, s19, s7, $0xb8;
	[tilespmem:$0x12A00] =	vst v63  }
0x2c: {  	s22 =	simm.s32 $0x400  }
0x2d: {  	[tilespmem:s10], [sflag:$0x1] =	stream.indirect.gather.add.f32 [hbm:s3], $0x80, s22, s7, $0xb8;
	[tilespmem:$0x12A00] =	vst v63  }
0x2e: {  	s29 =	simm.s32 $0x480  }
0x2f: {  	[tilespmem:s11], [sflag:$0x1] =	stream.indirect.gather.add.f32 [hbm:s3], $0x80, s29, s7, $0xb8;
	[tilespmem:$0x12A00] =	vst v63  }
0x30: {  	s30 =	simm.s32 $0x500  }
0x31: {  	[tilespmem:s13], [sflag:$0x1] =	stream.indirect.gather.add.f32 [hbm:s3], $0x80, s30, s7, $0xb8;
	[tilespmem:$0x12A00] =	vst v63  }
0x32: {  	s31 =	simm.s32 $0x580  }
0x33: {  	[tilespmem:s15], [sflag:$0x1] =	stream.indirect.gather.add.f32 [hbm:s3], $0x80, s31, s7, $0xb8;
	[tilespmem:$0x12A00] =	vst v63  }
0x34: {  	_ =	swait.ge [sflag:s20], $0x4000  }
0x35: {  	[sflag:s20] =	ssyncset.done $0x0  }
0x36: {  	[sflag:s20] =	ssyncadd.s32 $0xFFFFC000  }
0x37: {  	_ =	swait.ge [sflag:s20], $0x4000  }
0x38: {  	[sflag:s20] =	ssyncset.done $0x0  }
0x39: {  	[sflag:s20] =	ssyncadd.s32 $0xFFFFC000  }
0x3a: {  	_ =	swait.ge [sflag:s20], $0x4000  }
0x3b: {  	[sflag:s20] =	ssyncset.done $0x0  }
0x3c: {  	[sflag:s20] =	ssyncadd.s32 $0xFFFFC000  }
0x3d: {  	_ =	swait.ge [sflag:s20], $0x4000  }
0x3e: {  	s23 =	simm.s32 $0xFFFF7800;
	s22 =	simm.s32 $0xFFFFDC00;
	[sflag:s20] =	ssyncset.done $0x0  }
.LBB2_2:
0x3f: {  	s24 =	sadd.s32 $0x2A00, s22  }
0x40: {  	[sflag:s20] =	ssyncadd.s32 $0xFFFFC000;
	s25 =	smov.u32 s23;
	s26 =	sadd.s32 $0x800, s23  }
0x41: {  	[tilespmem:s10], [sflag:$0x1] =	stream.indirect.gather.add.f32 [hbm:s3], $0x80, s24, s7, $0xb8;
	[tilespmem:$0x12A00] =	vst v63  }
0x42: {  	p0 =	sne.s32 s23, $0xFFFFF800;
	s23 =	sadd.s32 $0x2A80, s22  }
0x43: {  	[tilespmem:s11], [sflag:$0x1] =	stream.indirect.gather.add.f32 [hbm:s3], $0x80, s23, s7, $0xb8;
	[tilespmem:$0x12A00] =	vst v63  }
0x44: {  	s23 =	sadd.s32 $0x2B00, s22  }
0x45: {  	[tilespmem:s13], [sflag:$0x1] =	stream.indirect.gather.add.f32 [hbm:s3], $0x80, s23, s7, $0xb8;
	[tilespmem:$0x12A00] =	vst v63  }
0x46: {  	s22 =	sadd.s32 $0x2B80, s22  }
0x47: {  	[tilespmem:s15], [sflag:$0x1] =	stream.indirect.gather.add.f32 [hbm:s3], $0x80, s22, s7, $0xb8;
	[tilespmem:$0x12A00] =	vst v63  }
0x48: {  	_ =	swait.ge [sflag:s20], $0x4000  }
0x49: {  	[sflag:s20] =	ssyncset.done $0x0  }
0x4a: {  	[sflag:s20] =	ssyncadd.s32 $0xFFFFC000  }
0x4b: {  	_ =	swait.ge [sflag:s20], $0x4000  }
0x4c: {  	[sflag:s20] =	ssyncset.done $0x0  }
0x4d: {  	[sflag:s20] =	ssyncadd.s32 $0xFFFFC000  }
.Ltmp0:
0x4e: {  	_ =	swait.ge [sflag:s20], $0x4000;
	(pc) =	sbr.rel @p0 .LBB2_2-.Ltmp0, $4  }
0x4f: {  	[sflag:s20] =	ssyncset.done $0x0  }
0x50: {  	[sflag:s20] =	ssyncadd.s32 $0xFFFFC000  }
0x51: {  	_ =	swait.ge [sflag:s20], $0x4000  }
0x52: {  	s23 =	smov.u32 s26;
	s22 =	sshra.s32 s25, $0x2;
	[sflag:s20] =	ssyncset.done $0x0  }
0x53: {  	s23 =	sadd.s32 $0x2A00, s22;
	[sflag:s20] =	ssyncadd.s32 $0xFFFFC000  }
0x54: {  	[tilespmem:s10], [sflag:$0x1] =	stream.indirect.gather.add.f32 [hbm:s3], $0x80, s23, s7, $0xb8;
	[tilespmem:$0x12A00] =	vst v63  }
0x55: {  	s29 =	sadd.s32 $0x2A80, s22  }
0x56: {  	[tilespmem:s11], [sflag:$0x1] =	stream.indirect.gather.add.f32 [hbm:s3], $0x80, s29, s7, $0xb8;
	[tilespmem:$0x12A00] =	vst v63  }
0x57: {  	s30 =	sadd.s32 $0x2B00, s22  }
0x58: {  	[tilespmem:s13], [sflag:$0x1] =	stream.indirect.gather.add.f32 [hbm:s3], $0x80, s30, s7, $0xb8;
	[tilespmem:$0x12A00] =	vst v63  }
0x59: {  	s31 =	sadd.s32 $0x2B80, s22  }
0x5a: {  	[tilespmem:s15], [sflag:$0x1] =	stream.indirect.gather.add.f32 [hbm:s3], $0x80, s31, s7, $0xb8;
	[tilespmem:$0x12A00] =	vst v63  }
0x5b: {  	_ =	swait.ge [sflag:s20], $0x4000  }
0x5c: {  	[sflag:s20] =	ssyncset.done $0x0  }
0x5d: {  	[sflag:s20] =	ssyncadd.s32 $0xFFFFC000  }
0x5e: {  	_ =	swait.ge [sflag:s20], $0x4000  }
0x5f: {  	[sflag:s20] =	ssyncset.done $0x0  }
0x60: {  	[sflag:s20] =	ssyncadd.s32 $0xFFFFC000  }
0x61: {  	_ =	swait.ge [sflag:s20], $0x4000  }
0x62: {  	[sflag:s20] =	ssyncset.done $0x0  }
0x63: {  	[sflag:s20] =	ssyncadd.s32 $0xFFFFC000  }
0x64: {  	_ =	swait.ge [sflag:s20], $0x4000  }
0x65: {  	[sflag:s20] =	ssyncset.done $0x0  }
0x66: {  	[sflag:s20] =	ssyncadd.s32 $0xFFFFC000  }
0x67: {  	_ =	swait.ge [sflag:s20], $0x4000  }
0x68: {  	[sflag:s20] =	ssyncset.done $0x0  }
0x69: {  	[sflag:s20] =	ssyncadd.s32 $0xFFFFC000  }
0x6a: {  	_ =	swait.ge [sflag:s20], $0x4000  }
0x6b: {  	[sflag:s20] =	ssyncset.done $0x0  }
0x6c: {  	[sflag:s20] =	ssyncadd.s32 $0xFFFFC000  }
0x6d: {  	_ =	swait.ge [sflag:s20], $0x4000  }
0x6e: {  	[sflag:s20] =	ssyncset.done $0x0  }
0x6f: {  	[sflag:s20] =	ssyncadd.s32 $0xFFFFC000  }
0x70: {  	s21 =	sadd.s32 $0x1, s21;
	_ =	swait.ge [sflag:s20], $0x4000  }
0x71: {  	p0 =	sne.s32 s21, s6;
	[sflag:s20] =	ssyncset.done $0x0  }
.Ltmp1:
0x72: {  	[sflag:s20] =	ssyncadd.s32 $0xFFFFC000;
	(pc) =	sbr.rel @p0 .LBB2_1-.Ltmp1, $4  }
0x73: {  	[hbm4b:s5+s2] =	stream.linear.scatter [tilespmem:s10], [sflag:$0x2], $0x10000, $0x38;
	[tilespmem:$0x12A00] =	vst v63  }
0x74: {  	_ =	swait.ge [sflag:s9], $0x10000  }
0x75: {  	[sflag:s9] =	ssyncset.done $0x0  }
0x76: {  	[sflag:s9] =	ssyncadd.s32 $0xFFFF0000  }
0x77: {  	_ =	sfence.sel $0x180000  }
0x78: {  	[bflag:$0x0] =	sbarrier.arrive $0xFFFF  }
0x79: {  	p0 =	sne.s32 s1, $0x0;
	_ =	strace $0x90000047  }
0x7a: {  	s0 =	sadd.s32 @!p0 $0x100000, s0;
	[bflag:$0x2] =	sbarrier.arrive $0xFFFF  }
0x7b: {  	[sflag:s0] =	ssyncadd.tile.s32 @!p0 $0x1;
	_ =	shalt  }
.Lfunc_end2:
_tile_overlayer_lowered:
.L_overlay_start_2:
0x7c: {  	(tag) =	ssettag $0x2  }
0x7d: {  	s0 =	rddreg [dreg:$0x0];
	s2 =	stileid.u32  }
0x7e: {  	s1 =	rddreg [dreg:$0x1];
	p0 =	sne.s32 s2, $0x0  }
0x7f: {  	s3 =	rddreg [dreg:$0x2];
	[bflag:$0x3] =	sbarrier.arrive $0xFFFF;
	s2 =	simm.s32 @!p0 $0x1C02  }
0x80: {  	[timem:s3], [sflag:s2] =	dma.local @!p0 [hbm:s0], s1  }
0x81: {  	s0 =	simm.s32 @!p0 $0x2  }
0x82: {  	_ =	swait.ge @!p0 [sflag:s0], s1  }
0x83: {  	s1 =	ssub.s32 @!p0 $0x0, s1;
	[sflag:s0] =	ssyncset.done @!p0 $0x0  }
0x84: {  	[sflag:s0] =	ssyncadd.s32 @!p0 s1  }
0x85: {  	[bflag:$0x3] =	sbarrier.arrive $0xFFFF  }
0x86: {  	_ =	shalt  }

</sc_bundles>
